<compile_context>
chip_gen: v7x
topology: tpu7x:2x2x1
jax: 0.10.2.dev20260603
libtpu: 0.0.44.dev20260713+nightly
codegen_flags: <defaults>
</compile_context>

<pallas_src>
import functools

import jax
import jax.numpy as jnp
from jax import lax
from jax.experimental import pallas as pl
from jax.experimental.pallas import tpu as pltpu
from jax.experimental.pallas import tpu_sc as plsc

F32 = jnp.float32
I32 = jnp.int32
HI = lax.Precision.HIGHEST

_B, _S = 4, 256
_N1, _N2, _PD, _OUT = 64, 64, 32, 64
_D, _A = 8, 6
_NE = _D * _A
_NROW = _D * 64
_SENT = _NROW
_TJ = 16

_L = 16
_CB = 544
_E = _S * _D



def _codes_body(in1_ref, in2_ref, pe_ref, anch_ref, out_ref, d1d_ref, dp_ref):
    jb = pl.program_id(1)
    a0 = anch_ref[0:1, :]
    a1 = anch_ref[1:2, :]

    def sel(base, n, neg=False):
        io = lax.broadcasted_iota(I32, (n, _NE), 0) + base
        p, q = (a1, a0) if neg else (a0, a1)
        return (io == p).astype(F32) - (io == q).astype(F32)

    @pl.when(jb == 0)
    def _tables():
        ed1 = sel(0, _N1)
        edp = sel(_N1 + _N2, _PD)
        d1 = jnp.dot(in1_ref[0], ed1, precision=HI)
        ri = lax.broadcasted_iota(I32, (_S, _S), 0)
        ci = lax.broadcasted_iota(I32, (_S, _S), 1)
        jmat = (ri + ci == _S - 1).astype(F32)
        d1r = jnp.dot(jmat, d1, precision=HI)
        d1r_up = jnp.concatenate([d1r[1:], d1r[:1]], axis=0)
        pair0 = jnp.concatenate([d1r, d1r_up], axis=1)
        d1d_ref[0:_S, :] = pair0
        d1d_ref[_S:2 * _S, :] = pair0
        dp = jnp.dot(pe_ref[...], edp, precision=HI)
        dp_ref[...] = jnp.concatenate([dp, dp], axis=1)

    ed2n = sel(_N1, _N2, neg=True)
    d2n = jnp.dot(in2_ref[0], ed2n, precision=HI)
    dp96 = dp_ref[...]

    BF = jnp.bfloat16
    m_io = lax.broadcasted_iota(I32, (2 * _D, 2 * _NE), 0)
    e_io = lax.broadcasted_iota(I32, (2 * _D, 2 * _NE), 1)
    w96t = jnp.where(e_io // _A == m_io, (1 << (e_io % _A)), 0).astype(BF)

    row_io = lax.broadcasted_iota(I32, (2 * _D, _S), 0)
    r_io = lax.broadcasted_iota(I32, (2 * _D, _S), 1)
    lane64 = (row_io % _D) * 64
    rpar = (r_io % 2) * _CB

    for jj in range(0, _TJ, 2):
        j0 = jb * _TJ + jj
        j1 = j0 + 1
        sh = d1d_ref[pl.ds(_S - 2 - j0, _S), :]
        d2pair = jnp.concatenate([d2n[jj + 1:jj + 2], d2n[jj:jj + 1]],
                                 axis=1)
        bits = ((sh + dp96) > d2pair).astype(BF)
        codes_f = lax.dot_general(w96t, bits, (((1,), (1,)), ((), ())),
                                  preferred_element_type=F32)
        codes = codes_f.astype(I32) + lane64
        jlim = jnp.where(row_io < _D, j1, j0)
        codes = jnp.where((r_io >= 1) & (r_io <= jlim), codes, _SENT) + rpar
        out_ref[jj] = codes[_D:, :]
        out_ref[jj + 1] = codes[:_D, :]


def _run_codes(input_1, input_2, pe_pad, anch2):
    grid = (_B, _S // _TJ)
    return pl.pallas_call(
        _codes_body,
        grid=grid,
        in_specs=[
            pl.BlockSpec((1, _S, _N1), lambda b, jb: (b, 0, 0)),
            pl.BlockSpec((1, _TJ, _N2), lambda b, jb: (b, jb, 0)),
            pl.BlockSpec((_S, _PD), lambda b, jb: (0, 0)),
            pl.BlockSpec((8, _NE), lambda b, jb: (0, 0)),
        ],
        out_specs=pl.BlockSpec((_TJ, _D, _S),
                               lambda b, jb: (b * (_S // _TJ) + jb, 0, 0)),
        out_shape=jax.ShapeDtypeStruct((_B * _S, _D, _S), I32),
        scratch_shapes=[pltpu.VMEM((2 * _S, 2 * _NE), F32),
                        pltpu.VMEM((_S, 2 * _NE), F32)],
    )(input_1, input_2, pe_pad, anch2)



def _run_hist(codes2d):
    info = plsc.get_sparse_core_info()
    nw = info.num_cores * info.num_subcores
    rows = _B * _S
    rpw = rows // nw

    mesh = plsc.VectorSubcoreMesh(core_axis_name="c", subcore_axis_name="s")

    @functools.partial(
        pl.kernel,
        mesh=mesh,
        out_type=jax.ShapeDtypeStruct((rows, _NROW), F32),
        scratch_types=[
            pltpu.VMEM((4 * _D, _S), I32),
            pltpu.VMEM((2 * _CB,), F32),
            pltpu.VMEM((2, _NROW), F32),
            pltpu.SemaphoreType.DMA,
            pltpu.SemaphoreType.DMA,
        ],
        compiler_params=pltpu.CompilerParams(needs_layout_passes=False),
    )
    def hist(codes_hbm, out_hbm, idx_v, cnt_v, o_v, sem, sem_out):
        wid = lax.axis_index("s") * info.num_cores + lax.axis_index("c")
        ones = jnp.full((_L,), 1.0, F32)
        lane = lax.iota(I32, _L)
        d_vec = lax.rem(lane, _D)
        r_vec = lane // _D

        for t in range(3):
            pltpu.async_copy(codes_hbm.at[t * nw + wid],
                             idx_v.at[pl.ds(t * _D, _D)], sem)

        def row_body(rr, carry):
            p8 = lax.rem(rr, 4) * _D
            q = lax.rem(rr, 2)
            row = rr * nw + wid
            pltpu.make_async_copy(codes_hbm.at[row], idx_v.at[pl.ds(p8, _D)],
                                  sem).wait()

            @pl.when(rr + 3 < rpw)
            def _prefetch():
                pltpu.async_copy(codes_hbm.at[row + 3 * nw],
                                 idx_v.at[pl.ds(lax.rem(rr + 3, 4) * _D, _D)],
                                 sem)

            for t in range(2 * _CB // _L):
                cnt_v[pl.ds(t * _L, _L)] = jnp.zeros((_L,), F32)

            j = lax.rem(row, _S)
            ntrip = (j + 1 + 7) // 8
            dp8 = d_vec + p8
            eight = jnp.full((_L,), 8, I32)

            def scat(k, carry):
                rs = carry
                out = []
                for u in range(4):
                    iv = plsc.load_gather(idx_v, [dp8, rs[u]])
                    plsc.addupdate_scatter(cnt_v, [iv], ones)
                    out.append(rs[u] + eight)
                return tuple(out)

            lax.fori_loop(0, ntrip, scat,
                          tuple(r_vec + 2 * u for u in range(4)))

            @pl.when(rr >= 2)
            def _drain():
                pltpu.make_async_copy(o_v.at[q], out_hbm.at[row - 2 * nw],
                                      sem_out).wait()

            for t in range(_NROW // _L):
                o_v[q, pl.ds(t * _L, _L)] = (cnt_v[pl.ds(t * _L, _L)]
                                             + cnt_v[pl.ds(_CB + t * _L, _L)])

            pltpu.async_copy(o_v.at[q], out_hbm.at[row], sem_out)
            return carry

        lax.fori_loop(0, rpw, row_body, 0)
        for rr in (rpw - 2, rpw - 1):
            pltpu.make_async_copy(o_v.at[rr % 2], out_hbm.at[rr * nw + wid],
                                  sem_out).wait()

    return hist(codes2d)



def _mm_body(cnt_ref, lut_ref, out_ref):
    out_ref[0] = jnp.dot(cnt_ref[...], lut_ref[...], precision=HI)


def _run_mm(counts, lut_flat):
    return pl.pallas_call(
        _mm_body,
        grid=(_B,),
        in_specs=[
            pl.BlockSpec((_S, _NROW), lambda g: (g, 0)),
            pl.BlockSpec((_NROW, _OUT), lambda g: (0, 0)),
        ],
        out_specs=pl.BlockSpec((1, _S, _OUT), lambda g: (g, 0, 0)),
        out_shape=jax.ShapeDtypeStruct((_B, _S, _OUT), F32),
    )(counts, lut_flat)



def kernel(input_1, input_2, pos_emb, anchors, lut_w):
    bb, ss, _ = input_1.shape
    pe_pad = jnp.concatenate([pos_emb, pos_emb[-1:]], axis=0)
    a0 = anchors[..., 0].reshape(-1).astype(I32)
    a1 = anchors[..., 1].reshape(-1).astype(I32)
    anch2 = jnp.zeros((8, _NE), I32).at[0].set(a0).at[1].set(a1)

    codes = _run_codes(input_1, input_2, pe_pad, anch2)
    counts = _run_hist(codes)
    return _run_mm(counts, lut_w.reshape(_NROW, _OUT))

# --- scband reference (transcript-rebuilt; emitter-appended) ---
"""Pipeline reference for scband-gtlutproduct-23871428231429 (READ-ONLY COPY).

The authoritative reference and input builder live on the scoring server;
editing this copy changes nothing except your own understanding.
"""

import jax, jax.numpy as jnp
import numpy as np

B, S = 4, 256
N1, N2, PD, OUT = 64, 64, 32, 64
D, A = 8, 6
NLUT = N1 + N2 + PD  # 160


def setup_inputs(seed: int = 0) -> dict:
    key = jax.random.key(seed)
    k1, k2, k3, k4, k5 = jax.random.split(key, 5)
    input_1 = jax.random.normal(k1, (B, S, N1), dtype=jnp.float32)
    input_2 = jax.random.normal(k2, (B, S, N2), dtype=jnp.float32)
    # learned params
    pos_emb = jax.random.uniform(k3, (S - 1, PD), dtype=jnp.float32, minval=-1.0, maxval=1.0)
    anchors = jax.random.randint(k4, (D, A, 2), 0, NLUT)  # int index pairs into LUT inputs
    lut_w = jax.random.normal(k5, (D, 2 ** A, OUT), dtype=jnp.float32) * 0.05
    return {"input_1": input_1, "input_2": input_2, "pos_emb": pos_emb,
            "anchors": anchors, "lut_w": lut_w}


def _lut_layer(x, anchors, lut_w):
    # x: [N, n_lut_inputs]; anchors: [D, A, 2] int; lut_w: [D, 2**A, OUT]
    a = jnp.take(x, anchors[..., 0], axis=1)  # [N, D, A] gather
    b = jnp.take(x, anchors[..., 1], axis=1)  # [N, D, A] gather
    bits = (a > b).astype(jnp.int32)
    pw = 2 ** jnp.arange(anchors.shape[1], dtype=jnp.int32)
    code = jnp.sum(bits * pw[None, None, :], axis=-1)  # [N, D] in [0, 2**A)
    d_idx = jnp.arange(lut_w.shape[0])
    gathered = lut_w[d_idx[None, :], code]  # [N, D, OUT] table gather
    return gathered.sum(axis=1)  # [N, OUT]


def reference(input_1, input_2, pos_emb, anchors, lut_w):
    Bb, Ss, _ = input_1.shape
    # all (i, j) pairs with i < j, ordered as (j ascending, i ascending) like the torch loops
    jj, ii = np.tril_indices(Ss, k=-1)
    x1 = input_1[:, ii, :]                      # [B, P, N1] gather of input_1[i]
    x2 = input_2[:, jj, :]                      # [B, P, N2] gather of input_2[j]
    rel = jnp.asarray(jj - ii)                  # relative position j - i in [1, S-1]
    pe = jnp.take(pos_emb, rel, axis=0, mode='clip')  # [P, PD] gather of pos emb rows
    pe = jnp.broadcast_to(pe[None, :, :], (Bb, pe.shape[0], pe.shape[1]))
    triples = jnp.concatenate([x1, x2, pe], axis=-1)  # [B, P, NLUT]
    P = triples.shape[1]
    flat = triples.reshape(Bb * P, -1)
    lut_out = _lut_layer(flat, anchors, lut_w).reshape(Bb, P, -1)  # [B, P, OUT]
    out = jnp.zeros((Bb, Ss, lut_out.shape[-1]), dtype=jnp.float32)
    out = out.at[:, jj, :].add(lut_out)         # scatter-add: sum over all i < j per j
    return out

if __name__ == "__main__":
    import jax
    _d = setup_inputs()
    print(jax.jit(kernel)(*tuple(_d.values())))

</pallas_src>

<mosaic_0001>
#map = affine_map<(d0, d1) -> (0, 0, 0)>
#map1 = affine_map<(d0, d1) -> (0, 0)>
module attributes {stable_mosaic.version = 14 : i64} {
  func.func @hist(%arg0: i32, %arg1: i32, %arg2: memref<1024x8x256xi32, #tpu.memory_space<hbm>>, %arg3: memref<1024x512xf32, #tpu.memory_space<hbm>>, %arg4: memref<32x256xi32, #tpu.memory_space<vmem>>, %arg5: memref<1088xf32, #tpu.memory_space<vmem>>, %arg6: memref<2x512xf32, #tpu.memory_space<vmem>>, %arg7: memref<!tpu.dma_semaphore, #tpu.memory_space<semaphore_mem>>, %arg8: memref<!tpu.dma_semaphore, #tpu.memory_space<semaphore_mem>>) attributes {dimension_semantics = [#tpu.dimension_semantics<core_parallel>, #tpu.dimension_semantics<subcore_parallel>], iteration_bounds = array<i64: 2, 16>, scalar_prefetch = 0 : i64, scratch_operands = 5 : i64, tpu.core_type = #tpu.core_type<sc_vector_subcore>, window_params = [{transform_indices = #map}, {transform_indices = #map1}]} {
    %mul3A = arith.constant 2 : i32
    %mul3A_0 = arith.muli %arg1, %mul3A : i32
    %add3A = arith.addi %mul3A_0, %arg0 : i32
    %broadcast_in_dim3A = arith.constant 1.000000e+00 : f32
    %broadcast_in_dim3A_1 = vector.broadcast %broadcast_in_dim3A : f32 to vector<16xf32>
    %iota3A = tpu.iota {dimensions = array<i32: 0>} : vector<16xi32>
    %rem3A = arith.constant 8 : i32
    %rem3A_2 = vector.broadcast %rem3A : i32 to vector<16xi32>
    %rem3A_3 = arith.remsi %iota3A, %rem3A_2 : vector<16xi32>
    %jit3A = arith.constant 8 : i32
    %div3A = vector.broadcast %jit3A : i32 to vector<16xi32>
    %div3A_4 = arith.divsi %iota3A, %div3A : vector<16xi32>
    %sign3A = arith.constant 0 : i32
    %sign3A_5 = vector.broadcast %sign3A : i32 to vector<16xi32>
    %sign3A_6 = arith.cmpi sgt, %iota3A, %sign3A_5 : vector<16xi32>
    %sign3A_7 = arith.extui %sign3A_6 : vector<16xi1> to vector<16xi32>
    %sign3A_8 = arith.constant 0 : i32
    %sign3A_9 = vector.broadcast %sign3A_8 : i32 to vector<16xi32>
    %sign3A_10 = arith.cmpi slt, %iota3A, %sign3A_9 : vector<16xi32>
    %sign3A_11 = arith.extui %sign3A_10 : vector<16xi1> to vector<16xi32>
    %sign3A_12 = arith.subi %sign3A_7, %sign3A_11 : vector<16xi32>
    %sign3A_13 = arith.constant 0 : i32
    %sign3A_14 = arith.cmpi sgt, %jit3A, %sign3A_13 : i32
    %sign3A_15 = arith.extui %sign3A_14 : i1 to i32
    %sign3A_16 = arith.constant 0 : i32
    %sign3A_17 = arith.cmpi slt, %jit3A, %sign3A_16 : i32
    %sign3A_18 = arith.extui %sign3A_17 : i1 to i32
    %sign3A_19 = arith.subi %sign3A_15, %sign3A_18 : i32
    %ne3A = vector.broadcast %sign3A_19 : i32 to vector<16xi32>
    %ne3A_20 = arith.cmpi ne, %sign3A_12, %ne3A : vector<16xi32>
    %rem3A_21 = vector.broadcast %jit3A : i32 to vector<16xi32>
    %rem3A_22 = arith.remsi %iota3A, %rem3A_21 : vector<16xi32>
    %ne3A_23 = arith.constant 0 : i32
    %ne3A_24 = vector.broadcast %ne3A_23 : i32 to vector<16xi32>
    %ne3A_25 = arith.cmpi ne, %rem3A_22, %ne3A_24 : vector<16xi32>
    %and3A = arith.andi %ne3A_20, %ne3A_25 : vector<16xi1>
    %sub3A = arith.constant 1 : i32
    %sub3A_26 = vector.broadcast %sub3A : i32 to vector<16xi32>
    %sub3A_27 = arith.subi %div3A_4, %sub3A_26 : vector<16xi32>
    %select_n3A = arith.select %and3A, %sub3A_27, %div3A_4 : vector<16xi1>, vector<16xi32>
    %add3A_28 = arith.constant 0 : i32
    %add3A_29 = arith.addi %add3A_28, %add3A : i32
    %dma_start3A = arith.constant 0 : i32
    %dma_start3A_30 = arith.constant 0 : i32
    %dma_start3A_31 = tpu.memref_slice %arg4[%dma_start3A, %dma_start3A_30] : memref<32x256xi32, #tpu.memory_space<vmem>> -> memref<8x256xi32, #tpu.memory_space<vmem>>
    %dma_start3A_32 = arith.constant 0 : i32
    %dma_start3A_33 = arith.constant 0 : i32
    %dma_start3A_34 = tpu.memref_slice %arg2[%add3A_29, %dma_start3A_32, %dma_start3A_33] : memref<1024x8x256xi32, #tpu.memory_space<hbm>> -> memref<1x8x256xi32, #tpu.memory_space<hbm>>
    %dma_start3A_35 = tpu.memref_squeeze %dma_start3A_34 : memref<1x8x256xi32, #tpu.memory_space<hbm>> -> memref<8x256xi32, #tpu.memory_space<hbm>>
    %dma_start3A_36 = arith.constant 0 : i32
    %dma_start3A_37 = arith.constant 0 : i32
    %dma_start3A_38 = tpu.memref_slice %arg4[%dma_start3A_36, %dma_start3A_37] : memref<32x256xi32, #tpu.memory_space<vmem>> -> memref<8x256xi32, #tpu.memory_space<vmem>>
    %dma_start3A_39 = arith.constant 0 : i32
    %dma_start3A_40 = arith.constant 0 : i32
    %dma_start3A_41 = tpu.memref_slice %arg2[%add3A_29, %dma_start3A_39, %dma_start3A_40] : memref<1024x8x256xi32, #tpu.memory_space<hbm>> -> memref<1x8x256xi32, #tpu.memory_space<hbm>>
    %dma_start3A_42 = tpu.memref_squeeze %dma_start3A_41 : memref<1x8x256xi32, #tpu.memory_space<hbm>> -> memref<8x256xi32, #tpu.memory_space<hbm>>
    tpu.enqueue_dma source(%dma_start3A_42 : memref<8x256xi32, #tpu.memory_space<hbm>>) target(%dma_start3A_38 : memref<8x256xi32, #tpu.memory_space<vmem>>) target_semaphore(%arg7 : memref<!tpu.dma_semaphore, #tpu.memory_space<semaphore_mem>>)
    %add3A_43 = arith.constant 32 : i32
    %add3A_44 = arith.addi %add3A_43, %add3A : i32
    %dma_start3A_45 = arith.constant 8 : i32
    %dma_start3A_46 = arith.constant 0 : i32
    %dma_start3A_47 = tpu.memref_slice %arg4[%dma_start3A_45, %dma_start3A_46] : memref<32x256xi32, #tpu.memory_space<vmem>> -> memref<8x256xi32, #tpu.memory_space<vmem>>
    %dma_start3A_48 = arith.constant 0 : i32
    %dma_start3A_49 = arith.constant 0 : i32
    %dma_start3A_50 = tpu.memref_slice %arg2[%add3A_44, %dma_start3A_48, %dma_start3A_49] : memref<1024x8x256xi32, #tpu.memory_space<hbm>> -> memref<1x8x256xi32, #tpu.memory_space<hbm>>
    %dma_start3A_51 = tpu.memref_squeeze %dma_start3A_50 : memref<1x8x256xi32, #tpu.memory_space<hbm>> -> memref<8x256xi32, #tpu.memory_space<hbm>>
    %dma_start3A_52 = arith.constant 8 : i32
    %dma_start3A_53 = arith.constant 0 : i32
    %dma_start3A_54 = tpu.memref_slice %arg4[%dma_start3A_52, %dma_start3A_53] : memref<32x256xi32, #tpu.memory_space<vmem>> -> memref<8x256xi32, #tpu.memory_space<vmem>>
    %dma_start3A_55 = arith.constant 0 : i32
    %dma_start3A_56 = arith.constant 0 : i32
    %dma_start3A_57 = tpu.memref_slice %arg2[%add3A_44, %dma_start3A_55, %dma_start3A_56] : memref<1024x8x256xi32, #tpu.memory_space<hbm>> -> memref<1x8x256xi32, #tpu.memory_space<hbm>>
    %dma_start3A_58 = tpu.memref_squeeze %dma_start3A_57 : memref<1x8x256xi32, #tpu.memory_space<hbm>> -> memref<8x256xi32, #tpu.memory_space<hbm>>
    tpu.enqueue_dma source(%dma_start3A_58 : memref<8x256xi32, #tpu.memory_space<hbm>>) target(%dma_start3A_54 : memref<8x256xi32, #tpu.memory_space<vmem>>) target_semaphore(%arg7 : memref<!tpu.dma_semaphore, #tpu.memory_space<semaphore_mem>>)
    %add3A_59 = arith.constant 64 : i32
    %add3A_60 = arith.addi %add3A_59, %add3A : i32
    %dma_start3A_61 = arith.constant 16 : i32
    %dma_start3A_62 = arith.constant 0 : i32
    %dma_start3A_63 = tpu.memref_slice %arg4[%dma_start3A_61, %dma_start3A_62] : memref<32x256xi32, #tpu.memory_space<vmem>> -> memref<8x256xi32, #tpu.memory_space<vmem>>
    %dma_start3A_64 = arith.constant 0 : i32
    %dma_start3A_65 = arith.constant 0 : i32
    %dma_start3A_66 = tpu.memref_slice %arg2[%add3A_60, %dma_start3A_64, %dma_start3A_65] : memref<1024x8x256xi32, #tpu.memory_space<hbm>> -> memref<1x8x256xi32, #tpu.memory_space<hbm>>
    %dma_start3A_67 = tpu.memref_squeeze %dma_start3A_66 : memref<1x8x256xi32, #tpu.memory_space<hbm>> -> memref<8x256xi32, #tpu.memory_space<hbm>>
    %dma_start3A_68 = arith.constant 16 : i32
    %dma_start3A_69 = arith.constant 0 : i32
    %dma_start3A_70 = tpu.memref_slice %arg4[%dma_start3A_68, %dma_start3A_69] : memref<32x256xi32, #tpu.memory_space<vmem>> -> memref<8x256xi32, #tpu.memory_space<vmem>>
    %dma_start3A_71 = arith.constant 0 : i32
    %dma_start3A_72 = arith.constant 0 : i32
    %dma_start3A_73 = tpu.memref_slice %arg2[%add3A_60, %dma_start3A_71, %dma_start3A_72] : memref<1024x8x256xi32, #tpu.memory_space<hbm>> -> memref<1x8x256xi32, #tpu.memory_space<hbm>>
    %dma_start3A_74 = tpu.memref_squeeze %dma_start3A_73 : memref<1x8x256xi32, #tpu.memory_space<hbm>> -> memref<8x256xi32, #tpu.memory_space<hbm>>
    tpu.enqueue_dma source(%dma_start3A_74 : memref<8x256xi32, #tpu.memory_space<hbm>>) target(%dma_start3A_70 : memref<8x256xi32, #tpu.memory_space<vmem>>) target_semaphore(%arg7 : memref<!tpu.dma_semaphore, #tpu.memory_space<semaphore_mem>>)
    %scan3A = arith.constant 0 : i32
    %scan3A_75 = arith.constant 0 : i32
    %scan3A_76 = arith.constant 32 : i32
    %scan3A_77 = arith.addi %scan3A_75, %scan3A_76 : i32
    %scan3A_78 = arith.constant 1 : i32
    scf.for %scan3A_109 = %scan3A_75 to %scan3A_77 step %scan3A_78  : i32 {
      %rem3A_110 = arith.constant 4 : i32
      %rem3A_111 = arith.remsi %scan3A_109, %rem3A_110 : i32
      %mul3A_112 = arith.constant 8 : i32
      %mul3A_113 = arith.muli %rem3A_111, %mul3A_112 : i32
      %rem3A_114 = arith.constant 2 : i32
      %rem3A_115 = arith.remsi %scan3A_109, %rem3A_114 : i32
      %mul3A_116 = arith.constant 32 : i32
      %mul3A_117 = arith.muli %scan3A_109, %mul3A_116 : i32
      %add3A_118 = arith.addi %mul3A_117, %add3A : i32
      %dma_wait3A_119 = arith.constant 0 : i32
      %dma_wait3A_120 = tpu.memref_slice %arg4[%mul3A_113, %dma_wait3A_119] : memref<32x256xi32, #tpu.memory_space<vmem>> -> memref<8x256xi32, #tpu.memory_space<vmem>>
      %dma_wait3A_121 = arith.constant 0 : i32
      %dma_wait3A_122 = arith.constant 0 : i32
      %dma_wait3A_123 = tpu.memref_slice %arg2[%add3A_118, %dma_wait3A_121, %dma_wait3A_122] : memref<1024x8x256xi32, #tpu.memory_space<hbm>> -> memref<1x8x256xi32, #tpu.memory_space<hbm>>
      %dma_wait3A_124 = tpu.memref_squeeze %dma_wait3A_123 : memref<1x8x256xi32, #tpu.memory_space<hbm>> -> memref<8x256xi32, #tpu.memory_space<hbm>>
      %dma_wait3A_125 = arith.constant 0 : i32
      %dma_wait3A_126 = tpu.memref_slice %arg4[%mul3A_113, %dma_wait3A_125] : memref<32x256xi32, #tpu.memory_space<vmem>> -> memref<8x256xi32, #tpu.memory_space<vmem>>
      %dma_wait3A_127 = arith.constant 0 : i32
      %dma_wait3A_128 = arith.constant 0 : i32
      %dma_wait3A_129 = tpu.memref_slice %arg2[%add3A_118, %dma_wait3A_127, %dma_wait3A_128] : memref<1024x8x256xi32, #tpu.memory_space<hbm>> -> memref<1x8x256xi32, #tpu.memory_space<hbm>>
      %dma_wait3A_130 = tpu.memref_squeeze %dma_wait3A_129 : memref<1x8x256xi32, #tpu.memory_space<hbm>> -> memref<8x256xi32, #tpu.memory_space<hbm>>
      tpu.wait_dma2 semaphore(%arg7 : memref<!tpu.dma_semaphore, #tpu.memory_space<semaphore_mem>>) src(%dma_wait3A_130 : memref<8x256xi32, #tpu.memory_space<hbm>>) dst(%dma_wait3A_126 : memref<8x256xi32, #tpu.memory_space<vmem>>)
      %add3A_131 = arith.constant 3 : i32
      %add3A_132 = arith.addi %scan3A_109, %add3A_131 : i32
      %lt3A = arith.constant 32 : i32
      %lt3A_133 = arith.cmpi slt, %add3A_132, %lt3A : i32
      %convert_element_type3A = arith.extui %lt3A_133 : i1 to i32
      %cond3A = arith.constant 0 : i32
      %cond3A_134 = arith.cmpi ne, %convert_element_type3A, %cond3A : i32
      scf.if %cond3A_134 {
        %add3A_733 = arith.constant 96 : i32
        %add3A_734 = arith.addi %add3A_118, %add3A_733 : i32
        %add3A_735 = arith.constant 3 : i32
        %add3A_736 = arith.addi %scan3A_109, %add3A_735 : i32
        %rem3A_737 = arith.constant 4 : i32
        %rem3A_738 = arith.remsi %add3A_736, %rem3A_737 : i32
        %mul3A_739 = arith.constant 8 : i32
        %mul3A_740 = arith.muli %rem3A_738, %mul3A_739 : i32
        %dma_start3A_741 = arith.constant 0 : i32
        %dma_start3A_742 = tpu.memref_slice %arg4[%mul3A_740, %dma_start3A_741] : memref<32x256xi32, #tpu.memory_space<vmem>> -> memref<8x256xi32, #tpu.memory_space<vmem>>
        %dma_start3A_743 = arith.constant 0 : i32
        %dma_start3A_744 = arith.constant 0 : i32
        %dma_start3A_745 = tpu.memref_slice %arg2[%add3A_734, %dma_start3A_743, %dma_start3A_744] : memref<1024x8x256xi32, #tpu.memory_space<hbm>> -> memref<1x8x256xi32, #tpu.memory_space<hbm>>
        %dma_start3A_746 = tpu.memref_squeeze %dma_start3A_745 : memref<1x8x256xi32, #tpu.memory_space<hbm>> -> memref<8x256xi32, #tpu.memory_space<hbm>>
        %dma_start3A_747 = arith.constant 0 : i32
        %dma_start3A_748 = tpu.memref_slice %arg4[%mul3A_740, %dma_start3A_747] : memref<32x256xi32, #tpu.memory_space<vmem>> -> memref<8x256xi32, #tpu.memory_space<vmem>>
        %dma_start3A_749 = arith.constant 0 : i32
        %dma_start3A_750 = arith.constant 0 : i32
        %dma_start3A_751 = tpu.memref_slice %arg2[%add3A_734, %dma_start3A_749, %dma_start3A_750] : memref<1024x8x256xi32, #tpu.memory_space<hbm>> -> memref<1x8x256xi32, #tpu.memory_space<hbm>>
        %dma_start3A_752 = tpu.memref_squeeze %dma_start3A_751 : memref<1x8x256xi32, #tpu.memory_space<hbm>> -> memref<8x256xi32, #tpu.memory_space<hbm>>
        tpu.enqueue_dma source(%dma_start3A_752 : memref<8x256xi32, #tpu.memory_space<hbm>>) target(%dma_start3A_748 : memref<8x256xi32, #tpu.memory_space<vmem>>) target_semaphore(%arg7 : memref<!tpu.dma_semaphore, #tpu.memory_space<semaphore_mem>>)
      } else {
      }
      %broadcast_in_dim3A_135 = arith.constant 0.000000e+00 : f32
      %broadcast_in_dim3A_136 = vector.broadcast %broadcast_in_dim3A_135 : f32 to vector<16xf32>
      %swap3A = arith.constant 0 : index
      %swap3A_137 = tpu.vector_load %arg5[%swap3A] {strides = array<i32>} : memref<1088xf32, #tpu.memory_space<vmem>>, vector<16xf32>,
      tpu.vector_store %arg5[%swap3A], %broadcast_in_dim3A_136 {strides = array<i32>} : memref<1088xf32, #tpu.memory_space<vmem>>, vector<16xf32>,
      %broadcast_in_dim3A_138 = arith.constant 0.000000e+00 : f32
      %broadcast_in_dim3A_139 = vector.broadcast %broadcast_in_dim3A_138 : f32 to vector<16xf32>
      %swap3A_140 = arith.constant 16 : index
      %swap3A_141 = tpu.vector_load %arg5[%swap3A_140] {strides = array<i32>} : memref<1088xf32, #tpu.memory_space<vmem>>, vector<16xf32>,
      tpu.vector_store %arg5[%swap3A_140], %broadcast_in_dim3A_139 {strides = array<i32>} : memref<1088xf32, #tpu.memory_space<vmem>>, vector<16xf32>,
      %broadcast_in_dim3A_142 = arith.constant 0.000000e+00 : f32
      %broadcast_in_dim3A_143 = vector.broadcast %broadcast_in_dim3A_142 : f32 to vector<16xf32>
      %swap3A_144 = arith.constant 32 : index
      %swap3A_145 = tpu.vector_load %arg5[%swap3A_144] {strides = array<i32>} : memref<1088xf32, #tpu.memory_space<vmem>>, vector<16xf32>,
      tpu.vector_store %arg5[%swap3A_144], %broadcast_in_dim3A_143 {strides = array<i32>} : memref<1088xf32, #tpu.memory_space<vmem>>, vector<16xf32>,
      %broadcast_in_dim3A_146 = arith.constant 0.000000e+00 : f32
      %broadcast_in_dim3A_147 = vector.broadcast %broadcast_in_dim3A_146 : f32 to vector<16xf32>
      %swap3A_148 = arith.constant 48 : index
      %swap3A_149 = tpu.vector_load %arg5[%swap3A_148] {strides = array<i32>} : memref<1088xf32, #tpu.memory_space<vmem>>, vector<16xf32>,
      tpu.vector_store %arg5[%swap3A_148], %broadcast_in_dim3A_147 {strides = array<i32>} : memref<1088xf32, #tpu.memory_space<vmem>>, vector<16xf32>,
      %broadcast_in_dim3A_150 = arith.constant 0.000000e+00 : f32
      %broadcast_in_dim3A_151 = vector.broadcast %broadcast_in_dim3A_150 : f32 to vector<16xf32>
      %swap3A_152 = arith.constant 64 : index
      %swap3A_153 = tpu.vector_load %arg5[%swap3A_152] {strides = array<i32>} : memref<1088xf32, #tpu.memory_space<vmem>>, vector<16xf32>,
      tpu.vector_store %arg5[%swap3A_152], %broadcast_in_dim3A_151 {strides = array<i32>} : memref<1088xf32, #tpu.memory_space<vmem>>, vector<16xf32>,
      %broadcast_in_dim3A_154 = arith.constant 0.000000e+00 : f32
      %broadcast_in_dim3A_155 = vector.broadcast %broadcast_in_dim3A_154 : f32 to vector<16xf32>
      %swap3A_156 = arith.constant 80 : index
      %swap3A_157 = tpu.vector_load %arg5[%swap3A_156] {strides = array<i32>} : memref<1088xf32, #tpu.memory_space<vmem>>, vector<16xf32>,
      tpu.vector_store %arg5[%swap3A_156], %broadcast_in_dim3A_155 {strides = array<i32>} : memref<1088xf32, #tpu.memory_space<vmem>>, vector<16xf32>,
      %broadcast_in_dim3A_158 = arith.constant 0.000000e+00 : f32
      %broadcast_in_dim3A_159 = vector.broadcast %broadcast_in_dim3A_158 : f32 to vector<16xf32>
      %swap3A_160 = arith.constant 96 : index
      %swap3A_161 = tpu.vector_load %arg5[%swap3A_160] {strides = array<i32>} : memref<1088xf32, #tpu.memory_space<vmem>>, vector<16xf32>,
      tpu.vector_store %arg5[%swap3A_160], %broadcast_in_dim3A_159 {strides = array<i32>} : memref<1088xf32, #tpu.memory_space<vmem>>, vector<16xf32>,
      %broadcast_in_dim3A_162 = arith.constant 0.000000e+00 : f32
      %broadcast_in_dim3A_163 = vector.broadcast %broadcast_in_dim3A_162 : f32 to vector<16xf32>
      %swap3A_164 = arith.constant 112 : index
      %swap3A_165 = tpu.vector_load %arg5[%swap3A_164] {strides = array<i32>} : memref<1088xf32, #tpu.memory_space<vmem>>, vector<16xf32>,
      tpu.vector_store %arg5[%swap3A_164], %broadcast_in_dim3A_163 {strides = array<i32>} : memref<1088xf32, #tpu.memory_space<vmem>>, vector<16xf32>,
      %broadcast_in_dim3A_166 = arith.constant 0.000000e+00 : f32
      %broadcast_in_dim3A_167 = vector.broadcast %broadcast_in_dim3A_166 : f32 to vector<16xf32>
      %swap3A_168 = arith.constant 128 : index
      %swap3A_169 = tpu.vector_load %arg5[%swap3A_168] {strides = array<i32>} : memref<1088xf32, #tpu.memory_space<vmem>>, vector<16xf32>,
      tpu.vector_store %arg5[%swap3A_168], %broadcast_in_dim3A_167 {strides = array<i32>} : memref<1088xf32, #tpu.memory_space<vmem>>, vector<16xf32>,
      %broadcast_in_dim3A_170 = arith.constant 0.000000e+00 : f32
      %broadcast_in_dim3A_171 = vector.broadcast %broadcast_in_dim3A_170 : f32 to vector<16xf32>
      %swap3A_172 = arith.constant 144 : index
      %swap3A_173 = tpu.vector_load %arg5[%swap3A_172] {strides = array<i32>} : memref<1088xf32, #tpu.memory_space<vmem>>, vector<16xf32>,
      tpu.vector_store %arg5[%swap3A_172], %broadcast_in_dim3A_171 {strides = array<i32>} : memref<1088xf32, #tpu.memory_space<vmem>>, vector<16xf32>,
      %broadcast_in_dim3A_174 = arith.constant 0.000000e+00 : f32
      %broadcast_in_dim3A_175 = vector.broadcast %broadcast_in_dim3A_174 : f32 to vector<16xf32>
      %swap3A_176 = arith.constant 160 : index
      %swap3A_177 = tpu.vector_load %arg5[%swap3A_176] {strides = array<i32>} : memref<1088xf32, #tpu.memory_space<vmem>>, vector<16xf32>,
      tpu.vector_store %arg5[%swap3A_176], %broadcast_in_dim3A_175 {strides = array<i32>} : memref<1088xf32, #tpu.memory_space<vmem>>, vector<16xf32>,
      %broadcast_in_dim3A_178 = arith.constant 0.000000e+00 : f32
      %broadcast_in_dim3A_179 = vector.broadcast %broadcast_in_dim3A_178 : f32 to vector<16xf32>
      %swap3A_180 = arith.constant 176 : index
      %swap3A_181 = tpu.vector_load %arg5[%swap3A_180] {strides = array<i32>} : memref<1088xf32, #tpu.memory_space<vmem>>, vector<16xf32>,
      tpu.vector_store %arg5[%swap3A_180], %broadcast_in_dim3A_179 {strides = array<i32>} : memref<1088xf32, #tpu.memory_space<vmem>>, vector<16xf32>,
      %broadcast_in_dim3A_182 = arith.constant 0.000000e+00 : f32
      %broadcast_in_dim3A_183 = vector.broadcast %broadcast_in_dim3A_182 : f32 to vector<16xf32>
      %swap3A_184 = arith.constant 192 : index
      %swap3A_185 = tpu.vector_load %arg5[%swap3A_184] {strides = array<i32>} : memref<1088xf32, #tpu.memory_space<vmem>>, vector<16xf32>,
      tpu.vector_store %arg5[%swap3A_184], %broadcast_in_dim3A_183 {strides = array<i32>} : memref<1088xf32, #tpu.memory_space<vmem>>, vector<16xf32>,
      %broadcast_in_dim3A_186 = arith.constant 0.000000e+00 : f32
      %broadcast_in_dim3A_187 = vector.broadcast %broadcast_in_dim3A_186 : f32 to vector<16xf32>
      %swap3A_188 = arith.constant 208 : index
      %swap3A_189 = tpu.vector_load %arg5[%swap3A_188] {strides = array<i32>} : memref<1088xf32, #tpu.memory_space<vmem>>, vector<16xf32>,
      tpu.vector_store %arg5[%swap3A_188], %broadcast_in_dim3A_187 {strides = array<i32>} : memref<1088xf32, #tpu.memory_space<vmem>>, vector<16xf32>,
      %broadcast_in_dim3A_190 = arith.constant 0.000000e+00 : f32
      %broadcast_in_dim3A_191 = vector.broadcast %broadcast_in_dim3A_190 : f32 to vector<16xf32>
      %swap3A_192 = arith.constant 224 : index
      %swap3A_193 = tpu.vector_load %arg5[%swap3A_192] {strides = array<i32>} : memref<1088xf32, #tpu.memory_space<vmem>>, vector<16xf32>,
      tpu.vector_store %arg5[%swap3A_192], %broadcast_in_dim3A_191 {strides = array<i32>} : memref<1088xf32, #tpu.memory_space<vmem>>, vector<16xf32>,
      %broadcast_in_dim3A_194 = arith.constant 0.000000e+00 : f32
      %broadcast_in_dim3A_195 = vector.broadcast %broadcast_in_dim3A_194 : f32 to vector<16xf32>
      %swap3A_196 = arith.constant 240 : index
      %swap3A_197 = tpu.vector_load %arg5[%swap3A_196] {strides = array<i32>} : memref<1088xf32, #tpu.memory_space<vmem>>, vector<16xf32>,
      tpu.vector_store %arg5[%swap3A_196], %broadcast_in_dim3A_195 {strides = array<i32>} : memref<1088xf32, #tpu.memory_space<vmem>>, vector<16xf32>,
      %broadcast_in_dim3A_198 = arith.constant 0.000000e+00 : f32
      %broadcast_in_dim3A_199 = vector.broadcast %broadcast_in_dim3A_198 : f32 to vector<16xf32>
      %swap3A_200 = arith.constant 256 : index
      %swap3A_201 = tpu.vector_load %arg5[%swap3A_200] {strides = array<i32>} : memref<1088xf32, #tpu.memory_space<vmem>>, vector<16xf32>,
      tpu.vector_store %arg5[%swap3A_200], %broadcast_in_dim3A_199 {strides = array<i32>} : memref<1088xf32, #tpu.memory_space<vmem>>, vector<16xf32>,
      %broadcast_in_dim3A_202 = arith.constant 0.000000e+00 : f32
      %broadcast_in_dim3A_203 = vector.broadcast %broadcast_in_dim3A_202 : f32 to vector<16xf32>
      %swap3A_204 = arith.constant 272 : index
      %swap3A_205 = tpu.vector_load %arg5[%swap3A_204] {strides = array<i32>} : memref<1088xf32, #tpu.memory_space<vmem>>, vector<16xf32>,
      tpu.vector_store %arg5[%swap3A_204], %broadcast_in_dim3A_203 {strides = array<i32>} : memref<1088xf32, #tpu.memory_space<vmem>>, vector<16xf32>,
      %broadcast_in_dim3A_206 = arith.constant 0.000000e+00 : f32
      %broadcast_in_dim3A_207 = vector.broadcast %broadcast_in_dim3A_206 : f32 to vector<16xf32>
      %swap3A_208 = arith.constant 288 : index
      %swap3A_209 = tpu.vector_load %arg5[%swap3A_208] {strides = array<i32>} : memref<1088xf32, #tpu.memory_space<vmem>>, vector<16xf32>,
      tpu.vector_store %arg5[%swap3A_208], %broadcast_in_dim3A_207 {strides = array<i32>} : memref<1088xf32, #tpu.memory_space<vmem>>, vector<16xf32>,
      %broadcast_in_dim3A_210 = arith.constant 0.000000e+00 : f32
      %broadcast_in_dim3A_211 = vector.broadcast %broadcast_in_dim3A_210 : f32 to vector<16xf32>
      %swap3A_212 = arith.constant 304 : index
      %swap3A_213 = tpu.vector_load %arg5[%swap3A_212] {strides = array<i32>} : memref<1088xf32, #tpu.memory_space<vmem>>, vector<16xf32>,
      tpu.vector_store %arg5[%swap3A_212], %broadcast_in_dim3A_211 {strides = array<i32>} : memref<1088xf32, #tpu.memory_space<vmem>>, vector<16xf32>,
      %broadcast_in_dim3A_214 = arith.constant 0.000000e+00 : f32
      %broadcast_in_dim3A_215 = vector.broadcast %broadcast_in_dim3A_214 : f32 to vector<16xf32>
      %swap3A_216 = arith.constant 320 : index
      %swap3A_217 = tpu.vector_load %arg5[%swap3A_216] {strides = array<i32>} : memref<1088xf32, #tpu.memory_space<vmem>>, vector<16xf32>,
      tpu.vector_store %arg5[%swap3A_216], %broadcast_in_dim3A_215 {strides = array<i32>} : memref<1088xf32, #tpu.memory_space<vmem>>, vector<16xf32>,
      %broadcast_in_dim3A_218 = arith.constant 0.000000e+00 : f32
      %broadcast_in_dim3A_219 = vector.broadcast %broadcast_in_dim3A_218 : f32 to vector<16xf32>
      %swap3A_220 = arith.constant 336 : index
      %swap3A_221 = tpu.vector_load %arg5[%swap3A_220] {strides = array<i32>} : memref<1088xf32, #tpu.memory_space<vmem>>, vector<16xf32>,
      tpu.vector_store %arg5[%swap3A_220], %broadcast_in_dim3A_219 {strides = array<i32>} : memref<1088xf32, #tpu.memory_space<vmem>>, vector<16xf32>,
      %broadcast_in_dim3A_222 = arith.constant 0.000000e+00 : f32
      %broadcast_in_dim3A_223 = vector.broadcast %broadcast_in_dim3A_222 : f32 to vector<16xf32>
      %swap3A_224 = arith.constant 352 : index
      %swap3A_225 = tpu.vector_load %arg5[%swap3A_224] {strides = array<i32>} : memref<1088xf32, #tpu.memory_space<vmem>>, vector<16xf32>,
      tpu.vector_store %arg5[%swap3A_224], %broadcast_in_dim3A_223 {strides = array<i32>} : memref<1088xf32, #tpu.memory_space<vmem>>, vector<16xf32>,
      %broadcast_in_dim3A_226 = arith.constant 0.000000e+00 : f32
      %broadcast_in_dim3A_227 = vector.broadcast %broadcast_in_dim3A_226 : f32 to vector<16xf32>
      %swap3A_228 = arith.constant 368 : index
      %swap3A_229 = tpu.vector_load %arg5[%swap3A_228] {strides = array<i32>} : memref<1088xf32, #tpu.memory_space<vmem>>, vector<16xf32>,
      tpu.vector_store %arg5[%swap3A_228], %broadcast_in_dim3A_227 {strides = array<i32>} : memref<1088xf32, #tpu.memory_space<vmem>>, vector<16xf32>,
      %broadcast_in_dim3A_230 = arith.constant 0.000000e+00 : f32
      %broadcast_in_dim3A_231 = vector.broadcast %broadcast_in_dim3A_230 : f32 to vector<16xf32>
      %swap3A_232 = arith.constant 384 : index
      %swap3A_233 = tpu.vector_load %arg5[%swap3A_232] {strides = array<i32>} : memref<1088xf32, #tpu.memory_space<vmem>>, vector<16xf32>,
      tpu.vector_store %arg5[%swap3A_232], %broadcast_in_dim3A_231 {strides = array<i32>} : memref<1088xf32, #tpu.memory_space<vmem>>, vector<16xf32>,
      %broadcast_in_dim3A_234 = arith.constant 0.000000e+00 : f32
      %broadcast_in_dim3A_235 = vector.broadcast %broadcast_in_dim3A_234 : f32 to vector<16xf32>
      %swap3A_236 = arith.constant 400 : index
      %swap3A_237 = tpu.vector_load %arg5[%swap3A_236] {strides = array<i32>} : memref<1088xf32, #tpu.memory_space<vmem>>, vector<16xf32>,
      tpu.vector_store %arg5[%swap3A_236], %broadcast_in_dim3A_235 {strides = array<i32>} : memref<1088xf32, #tpu.memory_space<vmem>>, vector<16xf32>,
      %broadcast_in_dim3A_238 = arith.constant 0.000000e+00 : f32
      %broadcast_in_dim3A_239 = vector.broadcast %broadcast_in_dim3A_238 : f32 to vector<16xf32>
      %swap3A_240 = arith.constant 416 : index
      %swap3A_241 = tpu.vector_load %arg5[%swap3A_240] {strides = array<i32>} : memref<1088xf32, #tpu.memory_space<vmem>>, vector<16xf32>,
      tpu.vector_store %arg5[%swap3A_240], %broadcast_in_dim3A_239 {strides = array<i32>} : memref<1088xf32, #tpu.memory_space<vmem>>, vector<16xf32>,
      %broadcast_in_dim3A_242 = arith.constant 0.000000e+00 : f32
      %broadcast_in_dim3A_243 = vector.broadcast %broadcast_in_dim3A_242 : f32 to vector<16xf32>
      %swap3A_244 = arith.constant 432 : index
      %swap3A_245 = tpu.vector_load %arg5[%swap3A_244] {strides = array<i32>} : memref<1088xf32, #tpu.memory_space<vmem>>, vector<16xf32>,
      tpu.vector_store %arg5[%swap3A_244], %broadcast_in_dim3A_243 {strides = array<i32>} : memref<1088xf32, #tpu.memory_space<vmem>>, vector<16xf32>,
      %broadcast_in_dim3A_246 = arith.constant 0.000000e+00 : f32
      %broadcast_in_dim3A_247 = vector.broadcast %broadcast_in_dim3A_246 : f32 to vector<16xf32>
      %swap3A_248 = arith.constant 448 : index
      %swap3A_249 = tpu.vector_load %arg5[%swap3A_248] {strides = array<i32>} : memref<1088xf32, #tpu.memory_space<vmem>>, vector<16xf32>,
      tpu.vector_store %arg5[%swap3A_248], %broadcast_in_dim3A_247 {strides = array<i32>} : memref<1088xf32, #tpu.memory_space<vmem>>, vector<16xf32>,
      %broadcast_in_dim3A_250 = arith.constant 0.000000e+00 : f32
      %broadcast_in_dim3A_251 = vector.broadcast %broadcast_in_dim3A_250 : f32 to vector<16xf32>
      %swap3A_252 = arith.constant 464 : index
      %swap3A_253 = tpu.vector_load %arg5[%swap3A_252] {strides = array<i32>} : memref<1088xf32, #tpu.memory_space<vmem>>, vector<16xf32>,
      tpu.vector_store %arg5[%swap3A_252], %broadcast_in_dim3A_251 {strides = array<i32>} : memref<1088xf32, #tpu.memory_space<vmem>>, vector<16xf32>,
      %broadcast_in_dim3A_254 = arith.constant 0.000000e+00 : f32
      %broadcast_in_dim3A_255 = vector.broadcast %broadcast_in_dim3A_254 : f32 to vector<16xf32>
      %swap3A_256 = arith.constant 480 : index
      %swap3A_257 = tpu.vector_load %arg5[%swap3A_256] {strides = array<i32>} : memref<1088xf32, #tpu.memory_space<vmem>>, vector<16xf32>,
      tpu.vector_store %arg5[%swap3A_256], %broadcast_in_dim3A_255 {strides = array<i32>} : memref<1088xf32, #tpu.memory_space<vmem>>, vector<16xf32>,
      %broadcast_in_dim3A_258 = arith.constant 0.000000e+00 : f32
      %broadcast_in_dim3A_259 = vector.broadcast %broadcast_in_dim3A_258 : f32 to vector<16xf32>
      %swap3A_260 = arith.constant 496 : index
      %swap3A_261 = tpu.vector_load %arg5[%swap3A_260] {strides = array<i32>} : memref<1088xf32, #tpu.memory_space<vmem>>, vector<16xf32>,
      tpu.vector_store %arg5[%swap3A_260], %broadcast_in_dim3A_259 {strides = array<i32>} : memref<1088xf32, #tpu.memory_space<vmem>>, vector<16xf32>,
      %broadcast_in_dim3A_262 = arith.constant 0.000000e+00 : f32
      %broadcast_in_dim3A_263 = vector.broadcast %broadcast_in_dim3A_262 : f32 to vector<16xf32>
      %swap3A_264 = arith.constant 512 : index
      %swap3A_265 = tpu.vector_load %arg5[%swap3A_264] {strides = array<i32>} : memref<1088xf32, #tpu.memory_space<vmem>>, vector<16xf32>,
      tpu.vector_store %arg5[%swap3A_264], %broadcast_in_dim3A_263 {strides = array<i32>} : memref<1088xf32, #tpu.memory_space<vmem>>, vector<16xf32>,
      %broadcast_in_dim3A_266 = arith.constant 0.000000e+00 : f32
      %broadcast_in_dim3A_267 = vector.broadcast %broadcast_in_dim3A_266 : f32 to vector<16xf32>
      %swap3A_268 = arith.constant 528 : index
      %swap3A_269 = tpu.vector_load %arg5[%swap3A_268] {strides = array<i32>} : memref<1088xf32, #tpu.memory_space<vmem>>, vector<16xf32>,
      tpu.vector_store %arg5[%swap3A_268], %broadcast_in_dim3A_267 {strides = array<i32>} : memref<1088xf32, #tpu.memory_space<vmem>>, vector<16xf32>,
      %broadcast_in_dim3A_270 = arith.constant 0.000000e+00 : f32
      %broadcast_in_dim3A_271 = vector.broadcast %broadcast_in_dim3A_270 : f32 to vector<16xf32>
      %swap3A_272 = arith.constant 544 : index
      %swap3A_273 = tpu.vector_load %arg5[%swap3A_272] {strides = array<i32>} : memref<1088xf32, #tpu.memory_space<vmem>>, vector<16xf32>,
      tpu.vector_store %arg5[%swap3A_272], %broadcast_in_dim3A_271 {strides = array<i32>} : memref<1088xf32, #tpu.memory_space<vmem>>, vector<16xf32>,
      %broadcast_in_dim3A_274 = arith.constant 0.000000e+00 : f32
      %broadcast_in_dim3A_275 = vector.broadcast %broadcast_in_dim3A_274 : f32 to vector<16xf32>
      %swap3A_276 = arith.constant 560 : index
      %swap3A_277 = tpu.vector_load %arg5[%swap3A_276] {strides = array<i32>} : memref<1088xf32, #tpu.memory_space<vmem>>, vector<16xf32>,
      tpu.vector_store %arg5[%swap3A_276], %broadcast_in_dim3A_275 {strides = array<i32>} : memref<1088xf32, #tpu.memory_space<vmem>>, vector<16xf32>,
      %broadcast_in_dim3A_278 = arith.constant 0.000000e+00 : f32
      %broadcast_in_dim3A_279 = vector.broadcast %broadcast_in_dim3A_278 : f32 to vector<16xf32>
      %swap3A_280 = arith.constant 576 : index
      %swap3A_281 = tpu.vector_load %arg5[%swap3A_280] {strides = array<i32>} : memref<1088xf32, #tpu.memory_space<vmem>>, vector<16xf32>,
      tpu.vector_store %arg5[%swap3A_280], %broadcast_in_dim3A_279 {strides = array<i32>} : memref<1088xf32, #tpu.memory_space<vmem>>, vector<16xf32>,
      %broadcast_in_dim3A_282 = arith.constant 0.000000e+00 : f32
      %broadcast_in_dim3A_283 = vector.broadcast %broadcast_in_dim3A_282 : f32 to vector<16xf32>
      %swap3A_284 = arith.constant 592 : index
      %swap3A_285 = tpu.vector_load %arg5[%swap3A_284] {strides = array<i32>} : memref<1088xf32, #tpu.memory_space<vmem>>, vector<16xf32>,
      tpu.vector_store %arg5[%swap3A_284], %broadcast_in_dim3A_283 {strides = array<i32>} : memref<1088xf32, #tpu.memory_space<vmem>>, vector<16xf32>,
      %broadcast_in_dim3A_286 = arith.constant 0.000000e+00 : f32
      %broadcast_in_dim3A_287 = vector.broadcast %broadcast_in_dim3A_286 : f32 to vector<16xf32>
      %swap3A_288 = arith.constant 608 : index
      %swap3A_289 = tpu.vector_load %arg5[%swap3A_288] {strides = array<i32>} : memref<1088xf32, #tpu.memory_space<vmem>>, vector<16xf32>,
      tpu.vector_store %arg5[%swap3A_288], %broadcast_in_dim3A_287 {strides = array<i32>} : memref<1088xf32, #tpu.memory_space<vmem>>, vector<16xf32>,
      %broadcast_in_dim3A_290 = arith.constant 0.000000e+00 : f32
      %broadcast_in_dim3A_291 = vector.broadcast %broadcast_in_dim3A_290 : f32 to vector<16xf32>
      %swap3A_292 = arith.constant 624 : index
      %swap3A_293 = tpu.vector_load %arg5[%swap3A_292] {strides = array<i32>} : memref<1088xf32, #tpu.memory_space<vmem>>, vector<16xf32>,
      tpu.vector_store %arg5[%swap3A_292], %broadcast_in_dim3A_291 {strides = array<i32>} : memref<1088xf32, #tpu.memory_space<vmem>>, vector<16xf32>,
      %broadcast_in_dim3A_294 = arith.constant 0.000000e+00 : f32
      %broadcast_in_dim3A_295 = vector.broadcast %broadcast_in_dim3A_294 : f32 to vector<16xf32>
      %swap3A_296 = arith.constant 640 : index
      %swap3A_297 = tpu.vector_load %arg5[%swap3A_296] {strides = array<i32>} : memref<1088xf32, #tpu.memory_space<vmem>>, vector<16xf32>,
      tpu.vector_store %arg5[%swap3A_296], %broadcast_in_dim3A_295 {strides = array<i32>} : memref<1088xf32, #tpu.memory_space<vmem>>, vector<16xf32>,
      %broadcast_in_dim3A_298 = arith.constant 0.000000e+00 : f32
      %broadcast_in_dim3A_299 = vector.broadcast %broadcast_in_dim3A_298 : f32 to vector<16xf32>
      %swap3A_300 = arith.constant 656 : index
      %swap3A_301 = tpu.vector_load %arg5[%swap3A_300] {strides = array<i32>} : memref<1088xf32, #tpu.memory_space<vmem>>, vector<16xf32>,
      tpu.vector_store %arg5[%swap3A_300], %broadcast_in_dim3A_299 {strides = array<i32>} : memref<1088xf32, #tpu.memory_space<vmem>>, vector<16xf32>,
      %broadcast_in_dim3A_302 = arith.constant 0.000000e+00 : f32
      %broadcast_in_dim3A_303 = vector.broadcast %broadcast_in_dim3A_302 : f32 to vector<16xf32>
      %swap3A_304 = arith.constant 672 : index
      %swap3A_305 = tpu.vector_load %arg5[%swap3A_304] {strides = array<i32>} : memref<1088xf32, #tpu.memory_space<vmem>>, vector<16xf32>,
      tpu.vector_store %arg5[%swap3A_304], %broadcast_in_dim3A_303 {strides = array<i32>} : memref<1088xf32, #tpu.memory_space<vmem>>, vector<16xf32>,
      %broadcast_in_dim3A_306 = arith.constant 0.000000e+00 : f32
      %broadcast_in_dim3A_307 = vector.broadcast %broadcast_in_dim3A_306 : f32 to vector<16xf32>
      %swap3A_308 = arith.constant 688 : index
      %swap3A_309 = tpu.vector_load %arg5[%swap3A_308] {strides = array<i32>} : memref<1088xf32, #tpu.memory_space<vmem>>, vector<16xf32>,
      tpu.vector_store %arg5[%swap3A_308], %broadcast_in_dim3A_307 {strides = array<i32>} : memref<1088xf32, #tpu.memory_space<vmem>>, vector<16xf32>,
      %broadcast_in_dim3A_310 = arith.constant 0.000000e+00 : f32
      %broadcast_in_dim3A_311 = vector.broadcast %broadcast_in_dim3A_310 : f32 to vector<16xf32>
      %swap3A_312 = arith.constant 704 : index
      %swap3A_313 = tpu.vector_load %arg5[%swap3A_312] {strides = array<i32>} : memref<1088xf32, #tpu.memory_space<vmem>>, vector<16xf32>,
      tpu.vector_store %arg5[%swap3A_312], %broadcast_in_dim3A_311 {strides = array<i32>} : memref<1088xf32, #tpu.memory_space<vmem>>, vector<16xf32>,
      %broadcast_in_dim3A_314 = arith.constant 0.000000e+00 : f32
      %broadcast_in_dim3A_315 = vector.broadcast %broadcast_in_dim3A_314 : f32 to vector<16xf32>
      %swap3A_316 = arith.constant 720 : index
      %swap3A_317 = tpu.vector_load %arg5[%swap3A_316] {strides = array<i32>} : memref<1088xf32, #tpu.memory_space<vmem>>, vector<16xf32>,
      tpu.vector_store %arg5[%swap3A_316], %broadcast_in_dim3A_315 {strides = array<i32>} : memref<1088xf32, #tpu.memory_space<vmem>>, vector<16xf32>,
      %broadcast_in_dim3A_318 = arith.constant 0.000000e+00 : f32
      %broadcast_in_dim3A_319 = vector.broadcast %broadcast_in_dim3A_318 : f32 to vector<16xf32>
      %swap3A_320 = arith.constant 736 : index
      %swap3A_321 = tpu.vector_load %arg5[%swap3A_320] {strides = array<i32>} : memref<1088xf32, #tpu.memory_space<vmem>>, vector<16xf32>,
      tpu.vector_store %arg5[%swap3A_320], %broadcast_in_dim3A_319 {strides = array<i32>} : memref<1088xf32, #tpu.memory_space<vmem>>, vector<16xf32>,
      %broadcast_in_dim3A_322 = arith.constant 0.000000e+00 : f32
      %broadcast_in_dim3A_323 = vector.broadcast %broadcast_in_dim3A_322 : f32 to vector<16xf32>
      %swap3A_324 = arith.constant 752 : index
      %swap3A_325 = tpu.vector_load %arg5[%swap3A_324] {strides = array<i32>} : memref<1088xf32, #tpu.memory_space<vmem>>, vector<16xf32>,
      tpu.vector_store %arg5[%swap3A_324], %broadcast_in_dim3A_323 {strides = array<i32>} : memref<1088xf32, #tpu.memory_space<vmem>>, vector<16xf32>,
      %broadcast_in_dim3A_326 = arith.constant 0.000000e+00 : f32
      %broadcast_in_dim3A_327 = vector.broadcast %broadcast_in_dim3A_326 : f32 to vector<16xf32>
      %swap3A_328 = arith.constant 768 : index
      %swap3A_329 = tpu.vector_load %arg5[%swap3A_328] {strides = array<i32>} : memref<1088xf32, #tpu.memory_space<vmem>>, vector<16xf32>,
      tpu.vector_store %arg5[%swap3A_328], %broadcast_in_dim3A_327 {strides = array<i32>} : memref<1088xf32, #tpu.memory_space<vmem>>, vector<16xf32>,
      %broadcast_in_dim3A_330 = arith.constant 0.000000e+00 : f32
      %broadcast_in_dim3A_331 = vector.broadcast %broadcast_in_dim3A_330 : f32 to vector<16xf32>
      %swap3A_332 = arith.constant 784 : index
      %swap3A_333 = tpu.vector_load %arg5[%swap3A_332] {strides = array<i32>} : memref<1088xf32, #tpu.memory_space<vmem>>, vector<16xf32>,
      tpu.vector_store %arg5[%swap3A_332], %broadcast_in_dim3A_331 {strides = array<i32>} : memref<1088xf32, #tpu.memory_space<vmem>>, vector<16xf32>,
      %broadcast_in_dim3A_334 = arith.constant 0.000000e+00 : f32
      %broadcast_in_dim3A_335 = vector.broadcast %broadcast_in_dim3A_334 : f32 to vector<16xf32>
      %swap3A_336 = arith.constant 800 : index
      %swap3A_337 = tpu.vector_load %arg5[%swap3A_336] {strides = array<i32>} : memref<1088xf32, #tpu.memory_space<vmem>>, vector<16xf32>,
      tpu.vector_store %arg5[%swap3A_336], %broadcast_in_dim3A_335 {strides = array<i32>} : memref<1088xf32, #tpu.memory_space<vmem>>, vector<16xf32>,
      %broadcast_in_dim3A_338 = arith.constant 0.000000e+00 : f32
      %broadcast_in_dim3A_339 = vector.broadcast %broadcast_in_dim3A_338 : f32 to vector<16xf32>
      %swap3A_340 = arith.constant 816 : index
      %swap3A_341 = tpu.vector_load %arg5[%swap3A_340] {strides = array<i32>} : memref<1088xf32, #tpu.memory_space<vmem>>, vector<16xf32>,
      tpu.vector_store %arg5[%swap3A_340], %broadcast_in_dim3A_339 {strides = array<i32>} : memref<1088xf32, #tpu.memory_space<vmem>>, vector<16xf32>,
      %broadcast_in_dim3A_342 = arith.constant 0.000000e+00 : f32
      %broadcast_in_dim3A_343 = vector.broadcast %broadcast_in_dim3A_342 : f32 to vector<16xf32>
      %swap3A_344 = arith.constant 832 : index
      %swap3A_345 = tpu.vector_load %arg5[%swap3A_344] {strides = array<i32>} : memref<1088xf32, #tpu.memory_space<vmem>>, vector<16xf32>,
      tpu.vector_store %arg5[%swap3A_344], %broadcast_in_dim3A_343 {strides = array<i32>} : memref<1088xf32, #tpu.memory_space<vmem>>, vector<16xf32>,
      %broadcast_in_dim3A_346 = arith.constant 0.000000e+00 : f32
      %broadcast_in_dim3A_347 = vector.broadcast %broadcast_in_dim3A_346 : f32 to vector<16xf32>
      %swap3A_348 = arith.constant 848 : index
      %swap3A_349 = tpu.vector_load %arg5[%swap3A_348] {strides = array<i32>} : memref<1088xf32, #tpu.memory_space<vmem>>, vector<16xf32>,
      tpu.vector_store %arg5[%swap3A_348], %broadcast_in_dim3A_347 {strides = array<i32>} : memref<1088xf32, #tpu.memory_space<vmem>>, vector<16xf32>,
      %broadcast_in_dim3A_350 = arith.constant 0.000000e+00 : f32
      %broadcast_in_dim3A_351 = vector.broadcast %broadcast_in_dim3A_350 : f32 to vector<16xf32>
      %swap3A_352 = arith.constant 864 : index
      %swap3A_353 = tpu.vector_load %arg5[%swap3A_352] {strides = array<i32>} : memref<1088xf32, #tpu.memory_space<vmem>>, vector<16xf32>,
      tpu.vector_store %arg5[%swap3A_352], %broadcast_in_dim3A_351 {strides = array<i32>} : memref<1088xf32, #tpu.memory_space<vmem>>, vector<16xf32>,
      %broadcast_in_dim3A_354 = arith.constant 0.000000e+00 : f32
      %broadcast_in_dim3A_355 = vector.broadcast %broadcast_in_dim3A_354 : f32 to vector<16xf32>
      %swap3A_356 = arith.constant 880 : index
      %swap3A_357 = tpu.vector_load %arg5[%swap3A_356] {strides = array<i32>} : memref<1088xf32, #tpu.memory_space<vmem>>, vector<16xf32>,
      tpu.vector_store %arg5[%swap3A_356], %broadcast_in_dim3A_355 {strides = array<i32>} : memref<1088xf32, #tpu.memory_space<vmem>>, vector<16xf32>,
      %broadcast_in_dim3A_358 = arith.constant 0.000000e+00 : f32
      %broadcast_in_dim3A_359 = vector.broadcast %broadcast_in_dim3A_358 : f32 to vector<16xf32>
      %swap3A_360 = arith.constant 896 : index
      %swap3A_361 = tpu.vector_load %arg5[%swap3A_360] {strides = array<i32>} : memref<1088xf32, #tpu.memory_space<vmem>>, vector<16xf32>,
      tpu.vector_store %arg5[%swap3A_360], %broadcast_in_dim3A_359 {strides = array<i32>} : memref<1088xf32, #tpu.memory_space<vmem>>, vector<16xf32>,
      %broadcast_in_dim3A_362 = arith.constant 0.000000e+00 : f32
      %broadcast_in_dim3A_363 = vector.broadcast %broadcast_in_dim3A_362 : f32 to vector<16xf32>
      %swap3A_364 = arith.constant 912 : index
      %swap3A_365 = tpu.vector_load %arg5[%swap3A_364] {strides = array<i32>} : memref<1088xf32, #tpu.memory_space<vmem>>, vector<16xf32>,
      tpu.vector_store %arg5[%swap3A_364], %broadcast_in_dim3A_363 {strides = array<i32>} : memref<1088xf32, #tpu.memory_space<vmem>>, vector<16xf32>,
      %broadcast_in_dim3A_366 = arith.constant 0.000000e+00 : f32
      %broadcast_in_dim3A_367 = vector.broadcast %broadcast_in_dim3A_366 : f32 to vector<16xf32>
      %swap3A_368 = arith.constant 928 : index
      %swap3A_369 = tpu.vector_load %arg5[%swap3A_368] {strides = array<i32>} : memref<1088xf32, #tpu.memory_space<vmem>>, vector<16xf32>,
      tpu.vector_store %arg5[%swap3A_368], %broadcast_in_dim3A_367 {strides = array<i32>} : memref<1088xf32, #tpu.memory_space<vmem>>, vector<16xf32>,
      %broadcast_in_dim3A_370 = arith.constant 0.000000e+00 : f32
      %broadcast_in_dim3A_371 = vector.broadcast %broadcast_in_dim3A_370 : f32 to vector<16xf32>
      %swap3A_372 = arith.constant 944 : index
      %swap3A_373 = tpu.vector_load %arg5[%swap3A_372] {strides = array<i32>} : memref<1088xf32, #tpu.memory_space<vmem>>, vector<16xf32>,
      tpu.vector_store %arg5[%swap3A_372], %broadcast_in_dim3A_371 {strides = array<i32>} : memref<1088xf32, #tpu.memory_space<vmem>>, vector<16xf32>,
      %broadcast_in_dim3A_374 = arith.constant 0.000000e+00 : f32
      %broadcast_in_dim3A_375 = vector.broadcast %broadcast_in_dim3A_374 : f32 to vector<16xf32>
      %swap3A_376 = arith.constant 960 : index
      %swap3A_377 = tpu.vector_load %arg5[%swap3A_376] {strides = array<i32>} : memref<1088xf32, #tpu.memory_space<vmem>>, vector<16xf32>,
      tpu.vector_store %arg5[%swap3A_376], %broadcast_in_dim3A_375 {strides = array<i32>} : memref<1088xf32, #tpu.memory_space<vmem>>, vector<16xf32>,
      %broadcast_in_dim3A_378 = arith.constant 0.000000e+00 : f32
      %broadcast_in_dim3A_379 = vector.broadcast %broadcast_in_dim3A_378 : f32 to vector<16xf32>
      %swap3A_380 = arith.constant 976 : index
      %swap3A_381 = tpu.vector_load %arg5[%swap3A_380] {strides = array<i32>} : memref<1088xf32, #tpu.memory_space<vmem>>, vector<16xf32>,
      tpu.vector_store %arg5[%swap3A_380], %broadcast_in_dim3A_379 {strides = array<i32>} : memref<1088xf32, #tpu.memory_space<vmem>>, vector<16xf32>,
      %broadcast_in_dim3A_382 = arith.constant 0.000000e+00 : f32
      %broadcast_in_dim3A_383 = vector.broadcast %broadcast_in_dim3A_382 : f32 to vector<16xf32>
      %swap3A_384 = arith.constant 992 : index
      %swap3A_385 = tpu.vector_load %arg5[%swap3A_384] {strides = array<i32>} : memref<1088xf32, #tpu.memory_space<vmem>>, vector<16xf32>,
      tpu.vector_store %arg5[%swap3A_384], %broadcast_in_dim3A_383 {strides = array<i32>} : memref<1088xf32, #tpu.memory_space<vmem>>, vector<16xf32>,
      %broadcast_in_dim3A_386 = arith.constant 0.000000e+00 : f32
      %broadcast_in_dim3A_387 = vector.broadcast %broadcast_in_dim3A_386 : f32 to vector<16xf32>
      %swap3A_388 = arith.constant 1008 : index
      %swap3A_389 = tpu.vector_load %arg5[%swap3A_388] {strides = array<i32>} : memref<1088xf32, #tpu.memory_space<vmem>>, vector<16xf32>,
      tpu.vector_store %arg5[%swap3A_388], %broadcast_in_dim3A_387 {strides = array<i32>} : memref<1088xf32, #tpu.memory_space<vmem>>, vector<16xf32>,
      %broadcast_in_dim3A_390 = arith.constant 0.000000e+00 : f32
      %broadcast_in_dim3A_391 = vector.broadcast %broadcast_in_dim3A_390 : f32 to vector<16xf32>
      %swap3A_392 = arith.constant 1024 : index
      %swap3A_393 = tpu.vector_load %arg5[%swap3A_392] {strides = array<i32>} : memref<1088xf32, #tpu.memory_space<vmem>>, vector<16xf32>,
      tpu.vector_store %arg5[%swap3A_392], %broadcast_in_dim3A_391 {strides = array<i32>} : memref<1088xf32, #tpu.memory_space<vmem>>, vector<16xf32>,
      %broadcast_in_dim3A_394 = arith.constant 0.000000e+00 : f32
      %broadcast_in_dim3A_395 = vector.broadcast %broadcast_in_dim3A_394 : f32 to vector<16xf32>
      %swap3A_396 = arith.constant 1040 : index
      %swap3A_397 = tpu.vector_load %arg5[%swap3A_396] {strides = array<i32>} : memref<1088xf32, #tpu.memory_space<vmem>>, vector<16xf32>,
      tpu.vector_store %arg5[%swap3A_396], %broadcast_in_dim3A_395 {strides = array<i32>} : memref<1088xf32, #tpu.memory_space<vmem>>, vector<16xf32>,
      %broadcast_in_dim3A_398 = arith.constant 0.000000e+00 : f32
      %broadcast_in_dim3A_399 = vector.broadcast %broadcast_in_dim3A_398 : f32 to vector<16xf32>
      %swap3A_400 = arith.constant 1056 : index
      %swap3A_401 = tpu.vector_load %arg5[%swap3A_400] {strides = array<i32>} : memref<1088xf32, #tpu.memory_space<vmem>>, vector<16xf32>,
      tpu.vector_store %arg5[%swap3A_400], %broadcast_in_dim3A_399 {strides = array<i32>} : memref<1088xf32, #tpu.memory_space<vmem>>, vector<16xf32>,
      %broadcast_in_dim3A_402 = arith.constant 0.000000e+00 : f32
      %broadcast_in_dim3A_403 = vector.broadcast %broadcast_in_dim3A_402 : f32 to vector<16xf32>
      %swap3A_404 = arith.constant 1072 : index
      %swap3A_405 = tpu.vector_load %arg5[%swap3A_404] {strides = array<i32>} : memref<1088xf32, #tpu.memory_space<vmem>>, vector<16xf32>,
      tpu.vector_store %arg5[%swap3A_404], %broadcast_in_dim3A_403 {strides = array<i32>} : memref<1088xf32, #tpu.memory_space<vmem>>, vector<16xf32>,
      %rem3A_406 = arith.constant 256 : i32
      %rem3A_407 = arith.remsi %add3A_118, %rem3A_406 : i32
      %add3A_408 = arith.constant 1 : i32
      %add3A_409 = arith.addi %rem3A_407, %add3A_408 : i32
      %add3A_410 = arith.constant 7 : i32
      %add3A_411 = arith.addi %add3A_409, %add3A_410 : i32
      %jit3A_412 = arith.constant 8 : i32
      %div3A_413 = arith.divsi %add3A_411, %jit3A_412 : i32
      %sign3A_414 = arith.constant 0 : i32
      %sign3A_415 = arith.cmpi sgt, %add3A_411, %sign3A_414 : i32
      %sign3A_416 = arith.extui %sign3A_415 : i1 to i32
      %sign3A_417 = arith.constant 0 : i32
      %sign3A_418 = arith.cmpi slt, %add3A_411, %sign3A_417 : i32
      %sign3A_419 = arith.extui %sign3A_418 : i1 to i32
      %sign3A_420 = arith.subi %sign3A_416, %sign3A_419 : i32
      %sign3A_421 = arith.constant 0 : i32
      %sign3A_422 = arith.cmpi sgt, %jit3A_412, %sign3A_421 : i32
      %sign3A_423 = arith.extui %sign3A_422 : i1 to i32
      %sign3A_424 = arith.constant 0 : i32
      %sign3A_425 = arith.cmpi slt, %jit3A_412, %sign3A_424 : i32
      %sign3A_426 = arith.extui %sign3A_425 : i1 to i32
      %sign3A_427 = arith.subi %sign3A_423, %sign3A_426 : i32
      %ne3A_428 = arith.cmpi ne, %sign3A_420, %sign3A_427 : i32
      %rem3A_429 = arith.remsi %add3A_411, %jit3A_412 : i32
      %ne3A_430 = arith.constant 0 : i32
      %ne3A_431 = arith.cmpi ne, %rem3A_429, %ne3A_430 : i32
      %and3A_432 = arith.andi %ne3A_428, %ne3A_431 : i1
      %sub3A_433 = arith.constant 1 : i32
      %sub3A_434 = arith.subi %div3A_413, %sub3A_433 : i32
      %select_n3A_435 = arith.select %and3A_432, %sub3A_434, %div3A_413 : i32
      %add3A_436 = vector.broadcast %mul3A_113 : i32 to vector<16xi32>
      %add3A_437 = arith.addi %rem3A_3, %add3A_436 : vector<16xi32>
      %broadcast_in_dim3A_438 = arith.constant 8 : i32
      %broadcast_in_dim3A_439 = vector.broadcast %broadcast_in_dim3A_438 : i32 to vector<16xi32>
      %add3A_440 = arith.constant 0 : i32
      %add3A_441 = vector.broadcast %add3A_440 : i32 to vector<16xi32>
      %add3A_442 = arith.addi %select_n3A, %add3A_441 : vector<16xi32>
      %add3A_443 = arith.constant 2 : i32
      %add3A_444 = vector.broadcast %add3A_443 : i32 to vector<16xi32>
      %add3A_445 = arith.addi %select_n3A, %add3A_444 : vector<16xi32>
      %add3A_446 = arith.constant 4 : i32
      %add3A_447 = vector.broadcast %add3A_446 : i32 to vector<16xi32>
      %add3A_448 = arith.addi %select_n3A, %add3A_447 : vector<16xi32>
      %add3A_449 = arith.constant 6 : i32
      %add3A_450 = vector.broadcast %add3A_449 : i32 to vector<16xi32>
      %add3A_451 = arith.addi %select_n3A, %add3A_450 : vector<16xi32>
      %while3A = arith.constant 0 : i32
      %while3A_452 = arith.subi %select_n3A_435, %while3A : i32
      %while3A_453 = arith.addi %while3A, %while3A_452 : i32
      %while3A_454 = arith.constant 1 : i32
      %while3A_455 = arith.divsi %while3A_452, %while3A_454 : i32
      %while3A_456 = arith.muli %while3A_455, %while3A_454 : i32
      %while3A_457 = arith.addi %while3A, %while3A_456 : i32
      %while3A_458 = arith.constant 1 : i32
      %while3A_459:4 = scf.for %while3A_733 = %while3A to %while3A_457 step %while3A_458 iter_args(%while3A_734 = %add3A_442, %while3A_735 = %add3A_445, %while3A_736 = %add3A_448, %while3A_737 = %add3A_451) -> (vector<16xi32>, vector<16xi32>, vector<16xi32>, vector<16xi32>)  : i32 {
        %gather3A = tpu.vector_load_idx %arg4[%add3A_437, %while3A_734] : memref<32x256xi32, #tpu.memory_space<vmem>>[vector<16xi32>, vector<16xi32>], vector<16xi32>,
        tpu.vector_store_idx %arg5[%gather3A], %broadcast_in_dim3A_1 {add = true} : memref<1088xf32, #tpu.memory_space<vmem>>[vector<16xi32>], vector<16xf32>,
        %add3A_738 = arith.addi %while3A_734, %broadcast_in_dim3A_439 : vector<16xi32>
        %gather3A_739 = tpu.vector_load_idx %arg4[%add3A_437, %while3A_735] : memref<32x256xi32, #tpu.memory_space<vmem>>[vector<16xi32>, vector<16xi32>], vector<16xi32>,
        tpu.vector_store_idx %arg5[%gather3A_739], %broadcast_in_dim3A_1 {add = true} : memref<1088xf32, #tpu.memory_space<vmem>>[vector<16xi32>], vector<16xf32>,
        %add3A_740 = arith.addi %while3A_735, %broadcast_in_dim3A_439 : vector<16xi32>
        %gather3A_741 = tpu.vector_load_idx %arg4[%add3A_437, %while3A_736] : memref<32x256xi32, #tpu.memory_space<vmem>>[vector<16xi32>, vector<16xi32>], vector<16xi32>,
        tpu.vector_store_idx %arg5[%gather3A_741], %broadcast_in_dim3A_1 {add = true} : memref<1088xf32, #tpu.memory_space<vmem>>[vector<16xi32>], vector<16xf32>,
        %add3A_742 = arith.addi %while3A_736, %broadcast_in_dim3A_439 : vector<16xi32>
        %gather3A_743 = tpu.vector_load_idx %arg4[%add3A_437, %while3A_737] : memref<32x256xi32, #tpu.memory_space<vmem>>[vector<16xi32>, vector<16xi32>], vector<16xi32>,
        tpu.vector_store_idx %arg5[%gather3A_743], %broadcast_in_dim3A_1 {add = true} : memref<1088xf32, #tpu.memory_space<vmem>>[vector<16xi32>], vector<16xf32>,
        %add3A_744 = arith.addi %while3A_737, %broadcast_in_dim3A_439 : vector<16xi32>
        scf.yield %add3A_738, %add3A_740, %add3A_742, %add3A_744 : vector<16xi32>, vector<16xi32>, vector<16xi32>, vector<16xi32>
      }
      %while3A_460 = arith.constant 1 : i32
      %while3A_461:4 = scf.for %while3A_733 = %while3A_457 to %while3A_453 step %while3A_460 iter_args(%while3A_734 = %while3A_459#0, %while3A_735 = %while3A_459#1, %while3A_736 = %while3A_459#2, %while3A_737 = %while3A_459#3) -> (vector<16xi32>, vector<16xi32>, vector<16xi32>, vector<16xi32>)  : i32 {
        %gather3A = tpu.vector_load_idx %arg4[%add3A_437, %while3A_734] : memref<32x256xi32, #tpu.memory_space<vmem>>[vector<16xi32>, vector<16xi32>], vector<16xi32>,
        tpu.vector_store_idx %arg5[%gather3A], %broadcast_in_dim3A_1 {add = true} : memref<1088xf32, #tpu.memory_space<vmem>>[vector<16xi32>], vector<16xf32>,
        %add3A_738 = arith.addi %while3A_734, %broadcast_in_dim3A_439 : vector<16xi32>
        %gather3A_739 = tpu.vector_load_idx %arg4[%add3A_437, %while3A_735] : memref<32x256xi32, #tpu.memory_space<vmem>>[vector<16xi32>, vector<16xi32>], vector<16xi32>,
        tpu.vector_store_idx %arg5[%gather3A_739], %broadcast_in_dim3A_1 {add = true} : memref<1088xf32, #tpu.memory_space<vmem>>[vector<16xi32>], vector<16xf32>,
        %add3A_740 = arith.addi %while3A_735, %broadcast_in_dim3A_439 : vector<16xi32>
        %gather3A_741 = tpu.vector_load_idx %arg4[%add3A_437, %while3A_736] : memref<32x256xi32, #tpu.memory_space<vmem>>[vector<16xi32>, vector<16xi32>], vector<16xi32>,
        tpu.vector_store_idx %arg5[%gather3A_741], %broadcast_in_dim3A_1 {add = true} : memref<1088xf32, #tpu.memory_space<vmem>>[vector<16xi32>], vector<16xf32>,
        %add3A_742 = arith.addi %while3A_736, %broadcast_in_dim3A_439 : vector<16xi32>
        %gather3A_743 = tpu.vector_load_idx %arg4[%add3A_437, %while3A_737] : memref<32x256xi32, #tpu.memory_space<vmem>>[vector<16xi32>, vector<16xi32>], vector<16xi32>,
        tpu.vector_store_idx %arg5[%gather3A_743], %broadcast_in_dim3A_1 {add = true} : memref<1088xf32, #tpu.memory_space<vmem>>[vector<16xi32>], vector<16xf32>,
        %add3A_744 = arith.addi %while3A_737, %broadcast_in_dim3A_439 : vector<16xi32>
        scf.yield %add3A_738, %add3A_740, %add3A_742, %add3A_744 : vector<16xi32>, vector<16xi32>, vector<16xi32>, vector<16xi32>
      }
      %ge3A = arith.constant 2 : i32
      %ge3A_462 = arith.cmpi sge, %scan3A_109, %ge3A : i32
      %convert_element_type3A_463 = arith.extui %ge3A_462 : i1 to i32
      %cond3A_464 = arith.constant 0 : i32
      %cond3A_465 = arith.cmpi ne, %convert_element_type3A_463, %cond3A_464 : i32
      scf.if %cond3A_465 {
        %sub3A_733 = arith.constant 64 : i32
        %sub3A_734 = arith.subi %add3A_118, %sub3A_733 : i32
        %dma_wait3A_735 = arith.constant 0 : i32
        %dma_wait3A_736 = tpu.memref_slice %arg6[%rem3A_115, %dma_wait3A_735] : memref<2x512xf32, #tpu.memory_space<vmem>> -> memref<1x512xf32, #tpu.memory_space<vmem>>
        %dma_wait3A_737 = tpu.memref_squeeze %dma_wait3A_736 : memref<1x512xf32, #tpu.memory_space<vmem>> -> memref<512xf32, #tpu.memory_space<vmem>>
        %dma_wait3A_738 = arith.constant 0 : i32
        %dma_wait3A_739 = tpu.memref_slice %arg3[%sub3A_734, %dma_wait3A_738] : memref<1024x512xf32, #tpu.memory_space<hbm>> -> memref<1x512xf32, #tpu.memory_space<hbm>>
        %dma_wait3A_740 = tpu.memref_squeeze %dma_wait3A_739 : memref<1x512xf32, #tpu.memory_space<hbm>> -> memref<512xf32, #tpu.memory_space<hbm>>
        %dma_wait3A_741 = arith.constant 0 : i32
        %dma_wait3A_742 = tpu.memref_slice %arg3[%sub3A_734, %dma_wait3A_741] : memref<1024x512xf32, #tpu.memory_space<hbm>> -> memref<1x512xf32, #tpu.memory_space<hbm>>
        %dma_wait3A_743 = tpu.memref_squeeze %dma_wait3A_742 : memref<1x512xf32, #tpu.memory_space<hbm>> -> memref<512xf32, #tpu.memory_space<hbm>>
        %dma_wait3A_744 = arith.constant 0 : i32
        %dma_wait3A_745 = tpu.memref_slice %arg6[%rem3A_115, %dma_wait3A_744] : memref<2x512xf32, #tpu.memory_space<vmem>> -> memref<1x512xf32, #tpu.memory_space<vmem>>
        %dma_wait3A_746 = tpu.memref_squeeze %dma_wait3A_745 : memref<1x512xf32, #tpu.memory_space<vmem>> -> memref<512xf32, #tpu.memory_space<vmem>>
        tpu.wait_dma2 semaphore(%arg8 : memref<!tpu.dma_semaphore, #tpu.memory_space<semaphore_mem>>) src(%dma_wait3A_746 : memref<512xf32, #tpu.memory_space<vmem>>) dst(%dma_wait3A_743 : memref<512xf32, #tpu.memory_space<hbm>>)
      } else {
      }
      %get3A = arith.constant 0 : index
      %get3A_466 = tpu.vector_load %arg5[%get3A] {strides = array<i32>} : memref<1088xf32, #tpu.memory_space<vmem>>, vector<16xf32>,
      %get3A_467 = arith.constant 544 : index
      %get3A_468 = tpu.vector_load %arg5[%get3A_467] {strides = array<i32>} : memref<1088xf32, #tpu.memory_space<vmem>>, vector<16xf32>,
      %add3A_469 = arith.addf %get3A_466, %get3A_468 : vector<16xf32>
      %swap3A_470 = arith.index_cast %rem3A_115 : i32 to index
      %swap3A_471 = arith.constant 0 : index
      %swap3A_472 = tpu.vector_load %arg6[%swap3A_470, %swap3A_471] {strides = array<i32>} : memref<2x512xf32, #tpu.memory_space<vmem>>, vector<16xf32>,
      tpu.vector_store %arg6[%swap3A_470, %swap3A_471], %add3A_469 {strides = array<i32>} : memref<2x512xf32, #tpu.memory_space<vmem>>, vector<16xf32>,
      %get3A_473 = arith.constant 16 : index
      %get3A_474 = tpu.vector_load %arg5[%get3A_473] {strides = array<i32>} : memref<1088xf32, #tpu.memory_space<vmem>>, vector<16xf32>,
      %get3A_475 = arith.constant 560 : index
      %get3A_476 = tpu.vector_load %arg5[%get3A_475] {strides = array<i32>} : memref<1088xf32, #tpu.memory_space<vmem>>, vector<16xf32>,
      %add3A_477 = arith.addf %get3A_474, %get3A_476 : vector<16xf32>
      %swap3A_478 = arith.index_cast %rem3A_115 : i32 to index
      %swap3A_479 = arith.constant 16 : index
      %swap3A_480 = tpu.vector_load %arg6[%swap3A_478, %swap3A_479] {strides = array<i32>} : memref<2x512xf32, #tpu.memory_space<vmem>>, vector<16xf32>,
      tpu.vector_store %arg6[%swap3A_478, %swap3A_479], %add3A_477 {strides = array<i32>} : memref<2x512xf32, #tpu.memory_space<vmem>>, vector<16xf32>,
      %get3A_481 = arith.constant 32 : index
      %get3A_482 = tpu.vector_load %arg5[%get3A_481] {strides = array<i32>} : memref<1088xf32, #tpu.memory_space<vmem>>, vector<16xf32>,
      %get3A_483 = arith.constant 576 : index
      %get3A_484 = tpu.vector_load %arg5[%get3A_483] {strides = array<i32>} : memref<1088xf32, #tpu.memory_space<vmem>>, vector<16xf32>,
      %add3A_485 = arith.addf %get3A_482, %get3A_484 : vector<16xf32>
      %swap3A_486 = arith.index_cast %rem3A_115 : i32 to index
      %swap3A_487 = arith.constant 32 : index
      %swap3A_488 = tpu.vector_load %arg6[%swap3A_486, %swap3A_487] {strides = array<i32>} : memref<2x512xf32, #tpu.memory_space<vmem>>, vector<16xf32>,
      tpu.vector_store %arg6[%swap3A_486, %swap3A_487], %add3A_485 {strides = array<i32>} : memref<2x512xf32, #tpu.memory_space<vmem>>, vector<16xf32>,
      %get3A_489 = arith.constant 48 : index
      %get3A_490 = tpu.vector_load %arg5[%get3A_489] {strides = array<i32>} : memref<1088xf32, #tpu.memory_space<vmem>>, vector<16xf32>,
      %get3A_491 = arith.constant 592 : index
      %get3A_492 = tpu.vector_load %arg5[%get3A_491] {strides = array<i32>} : memref<1088xf32, #tpu.memory_space<vmem>>, vector<16xf32>,
      %add3A_493 = arith.addf %get3A_490, %get3A_492 : vector<16xf32>
      %swap3A_494 = arith.index_cast %rem3A_115 : i32 to index
      %swap3A_495 = arith.constant 48 : index
      %swap3A_496 = tpu.vector_load %arg6[%swap3A_494, %swap3A_495] {strides = array<i32>} : memref<2x512xf32, #tpu.memory_space<vmem>>, vector<16xf32>,
      tpu.vector_store %arg6[%swap3A_494, %swap3A_495], %add3A_493 {strides = array<i32>} : memref<2x512xf32, #tpu.memory_space<vmem>>, vector<16xf32>,
      %get3A_497 = arith.constant 64 : index
      %get3A_498 = tpu.vector_load %arg5[%get3A_497] {strides = array<i32>} : memref<1088xf32, #tpu.memory_space<vmem>>, vector<16xf32>,
      %get3A_499 = arith.constant 608 : index
      %get3A_500 = tpu.vector_load %arg5[%get3A_499] {strides = array<i32>} : memref<1088xf32, #tpu.memory_space<vmem>>, vector<16xf32>,
      %add3A_501 = arith.addf %get3A_498, %get3A_500 : vector<16xf32>
      %swap3A_502 = arith.index_cast %rem3A_115 : i32 to index
      %swap3A_503 = arith.constant 64 : index
      %swap3A_504 = tpu.vector_load %arg6[%swap3A_502, %swap3A_503] {strides = array<i32>} : memref<2x512xf32, #tpu.memory_space<vmem>>, vector<16xf32>,
      tpu.vector_store %arg6[%swap3A_502, %swap3A_503], %add3A_501 {strides = array<i32>} : memref<2x512xf32, #tpu.memory_space<vmem>>, vector<16xf32>,
      %get3A_505 = arith.constant 80 : index
      %get3A_506 = tpu.vector_load %arg5[%get3A_505] {strides = array<i32>} : memref<1088xf32, #tpu.memory_space<vmem>>, vector<16xf32>,
      %get3A_507 = arith.constant 624 : index
      %get3A_508 = tpu.vector_load %arg5[%get3A_507] {strides = array<i32>} : memref<1088xf32, #tpu.memory_space<vmem>>, vector<16xf32>,
      %add3A_509 = arith.addf %get3A_506, %get3A_508 : vector<16xf32>
      %swap3A_510 = arith.index_cast %rem3A_115 : i32 to index
      %swap3A_511 = arith.constant 80 : index
      %swap3A_512 = tpu.vector_load %arg6[%swap3A_510, %swap3A_511] {strides = array<i32>} : memref<2x512xf32, #tpu.memory_space<vmem>>, vector<16xf32>,
      tpu.vector_store %arg6[%swap3A_510, %swap3A_511], %add3A_509 {strides = array<i32>} : memref<2x512xf32, #tpu.memory_space<vmem>>, vector<16xf32>,
      %get3A_513 = arith.constant 96 : index
      %get3A_514 = tpu.vector_load %arg5[%get3A_513] {strides = array<i32>} : memref<1088xf32, #tpu.memory_space<vmem>>, vector<16xf32>,
      %get3A_515 = arith.constant 640 : index
      %get3A_516 = tpu.vector_load %arg5[%get3A_515] {strides = array<i32>} : memref<1088xf32, #tpu.memory_space<vmem>>, vector<16xf32>,
      %add3A_517 = arith.addf %get3A_514, %get3A_516 : vector<16xf32>
      %swap3A_518 = arith.index_cast %rem3A_115 : i32 to index
      %swap3A_519 = arith.constant 96 : index
      %swap3A_520 = tpu.vector_load %arg6[%swap3A_518, %swap3A_519] {strides = array<i32>} : memref<2x512xf32, #tpu.memory_space<vmem>>, vector<16xf32>,
      tpu.vector_store %arg6[%swap3A_518, %swap3A_519], %add3A_517 {strides = array<i32>} : memref<2x512xf32, #tpu.memory_space<vmem>>, vector<16xf32>,
      %get3A_521 = arith.constant 112 : index
      %get3A_522 = tpu.vector_load %arg5[%get3A_521] {strides = array<i32>} : memref<1088xf32, #tpu.memory_space<vmem>>, vector<16xf32>,
      %get3A_523 = arith.constant 656 : index
      %get3A_524 = tpu.vector_load %arg5[%get3A_523] {strides = array<i32>} : memref<1088xf32, #tpu.memory_space<vmem>>, vector<16xf32>,
      %add3A_525 = arith.addf %get3A_522, %get3A_524 : vector<16xf32>
      %swap3A_526 = arith.index_cast %rem3A_115 : i32 to index
      %swap3A_527 = arith.constant 112 : index
      %swap3A_528 = tpu.vector_load %arg6[%swap3A_526, %swap3A_527] {strides = array<i32>} : memref<2x512xf32, #tpu.memory_space<vmem>>, vector<16xf32>,
      tpu.vector_store %arg6[%swap3A_526, %swap3A_527], %add3A_525 {strides = array<i32>} : memref<2x512xf32, #tpu.memory_space<vmem>>, vector<16xf32>,
      %get3A_529 = arith.constant 128 : index
      %get3A_530 = tpu.vector_load %arg5[%get3A_529] {strides = array<i32>} : memref<1088xf32, #tpu.memory_space<vmem>>, vector<16xf32>,
      %get3A_531 = arith.constant 672 : index
      %get3A_532 = tpu.vector_load %arg5[%get3A_531] {strides = array<i32>} : memref<1088xf32, #tpu.memory_space<vmem>>, vector<16xf32>,
      %add3A_533 = arith.addf %get3A_530, %get3A_532 : vector<16xf32>
      %swap3A_534 = arith.index_cast %rem3A_115 : i32 to index
      %swap3A_535 = arith.constant 128 : index
      %swap3A_536 = tpu.vector_load %arg6[%swap3A_534, %swap3A_535] {strides = array<i32>} : memref<2x512xf32, #tpu.memory_space<vmem>>, vector<16xf32>,
      tpu.vector_store %arg6[%swap3A_534, %swap3A_535], %add3A_533 {strides = array<i32>} : memref<2x512xf32, #tpu.memory_space<vmem>>, vector<16xf32>,
      %get3A_537 = arith.constant 144 : index
      %get3A_538 = tpu.vector_load %arg5[%get3A_537] {strides = array<i32>} : memref<1088xf32, #tpu.memory_space<vmem>>, vector<16xf32>,
      %get3A_539 = arith.constant 688 : index
      %get3A_540 = tpu.vector_load %arg5[%get3A_539] {strides = array<i32>} : memref<1088xf32, #tpu.memory_space<vmem>>, vector<16xf32>,
      %add3A_541 = arith.addf %get3A_538, %get3A_540 : vector<16xf32>
      %swap3A_542 = arith.index_cast %rem3A_115 : i32 to index
      %swap3A_543 = arith.constant 144 : index
      %swap3A_544 = tpu.vector_load %arg6[%swap3A_542, %swap3A_543] {strides = array<i32>} : memref<2x512xf32, #tpu.memory_space<vmem>>, vector<16xf32>,
      tpu.vector_store %arg6[%swap3A_542, %swap3A_543], %add3A_541 {strides = array<i32>} : memref<2x512xf32, #tpu.memory_space<vmem>>, vector<16xf32>,
      %get3A_545 = arith.constant 160 : index
      %get3A_546 = tpu.vector_load %arg5[%get3A_545] {strides = array<i32>} : memref<1088xf32, #tpu.memory_space<vmem>>, vector<16xf32>,
      %get3A_547 = arith.constant 704 : index
      %get3A_548 = tpu.vector_load %arg5[%get3A_547] {strides = array<i32>} : memref<1088xf32, #tpu.memory_space<vmem>>, vector<16xf32>,
      %add3A_549 = arith.addf %get3A_546, %get3A_548 : vector<16xf32>
      %swap3A_550 = arith.index_cast %rem3A_115 : i32 to index
      %swap3A_551 = arith.constant 160 : index
      %swap3A_552 = tpu.vector_load %arg6[%swap3A_550, %swap3A_551] {strides = array<i32>} : memref<2x512xf32, #tpu.memory_space<vmem>>, vector<16xf32>,
      tpu.vector_store %arg6[%swap3A_550, %swap3A_551], %add3A_549 {strides = array<i32>} : memref<2x512xf32, #tpu.memory_space<vmem>>, vector<16xf32>,
      %get3A_553 = arith.constant 176 : index
      %get3A_554 = tpu.vector_load %arg5[%get3A_553] {strides = array<i32>} : memref<1088xf32, #tpu.memory_space<vmem>>, vector<16xf32>,
      %get3A_555 = arith.constant 720 : index
      %get3A_556 = tpu.vector_load %arg5[%get3A_555] {strides = array<i32>} : memref<1088xf32, #tpu.memory_space<vmem>>, vector<16xf32>,
      %add3A_557 = arith.addf %get3A_554, %get3A_556 : vector<16xf32>
      %swap3A_558 = arith.index_cast %rem3A_115 : i32 to index
      %swap3A_559 = arith.constant 176 : index
      %swap3A_560 = tpu.vector_load %arg6[%swap3A_558, %swap3A_559] {strides = array<i32>} : memref<2x512xf32, #tpu.memory_space<vmem>>, vector<16xf32>,
      tpu.vector_store %arg6[%swap3A_558, %swap3A_559], %add3A_557 {strides = array<i32>} : memref<2x512xf32, #tpu.memory_space<vmem>>, vector<16xf32>,
      %get3A_561 = arith.constant 192 : index
      %get3A_562 = tpu.vector_load %arg5[%get3A_561] {strides = array<i32>} : memref<1088xf32, #tpu.memory_space<vmem>>, vector<16xf32>,
      %get3A_563 = arith.constant 736 : index
      %get3A_564 = tpu.vector_load %arg5[%get3A_563] {strides = array<i32>} : memref<1088xf32, #tpu.memory_space<vmem>>, vector<16xf32>,
      %add3A_565 = arith.addf %get3A_562, %get3A_564 : vector<16xf32>
      %swap3A_566 = arith.index_cast %rem3A_115 : i32 to index
      %swap3A_567 = arith.constant 192 : index
      %swap3A_568 = tpu.vector_load %arg6[%swap3A_566, %swap3A_567] {strides = array<i32>} : memref<2x512xf32, #tpu.memory_space<vmem>>, vector<16xf32>,
      tpu.vector_store %arg6[%swap3A_566, %swap3A_567], %add3A_565 {strides = array<i32>} : memref<2x512xf32, #tpu.memory_space<vmem>>, vector<16xf32>,
      %get3A_569 = arith.constant 208 : index
      %get3A_570 = tpu.vector_load %arg5[%get3A_569] {strides = array<i32>} : memref<1088xf32, #tpu.memory_space<vmem>>, vector<16xf32>,
      %get3A_571 = arith.constant 752 : index
      %get3A_572 = tpu.vector_load %arg5[%get3A_571] {strides = array<i32>} : memref<1088xf32, #tpu.memory_space<vmem>>, vector<16xf32>,
      %add3A_573 = arith.addf %get3A_570, %get3A_572 : vector<16xf32>
      %swap3A_574 = arith.index_cast %rem3A_115 : i32 to index
      %swap3A_575 = arith.constant 208 : index
      %swap3A_576 = tpu.vector_load %arg6[%swap3A_574, %swap3A_575] {strides = array<i32>} : memref<2x512xf32, #tpu.memory_space<vmem>>, vector<16xf32>,
      tpu.vector_store %arg6[%swap3A_574, %swap3A_575], %add3A_573 {strides = array<i32>} : memref<2x512xf32, #tpu.memory_space<vmem>>, vector<16xf32>,
      %get3A_577 = arith.constant 224 : index
      %get3A_578 = tpu.vector_load %arg5[%get3A_577] {strides = array<i32>} : memref<1088xf32, #tpu.memory_space<vmem>>, vector<16xf32>,
      %get3A_579 = arith.constant 768 : index
      %get3A_580 = tpu.vector_load %arg5[%get3A_579] {strides = array<i32>} : memref<1088xf32, #tpu.memory_space<vmem>>, vector<16xf32>,
      %add3A_581 = arith.addf %get3A_578, %get3A_580 : vector<16xf32>
      %swap3A_582 = arith.index_cast %rem3A_115 : i32 to index
      %swap3A_583 = arith.constant 224 : index
      %swap3A_584 = tpu.vector_load %arg6[%swap3A_582, %swap3A_583] {strides = array<i32>} : memref<2x512xf32, #tpu.memory_space<vmem>>, vector<16xf32>,
      tpu.vector_store %arg6[%swap3A_582, %swap3A_583], %add3A_581 {strides = array<i32>} : memref<2x512xf32, #tpu.memory_space<vmem>>, vector<16xf32>,
      %get3A_585 = arith.constant 240 : index
      %get3A_586 = tpu.vector_load %arg5[%get3A_585] {strides = array<i32>} : memref<1088xf32, #tpu.memory_space<vmem>>, vector<16xf32>,
      %get3A_587 = arith.constant 784 : index
      %get3A_588 = tpu.vector_load %arg5[%get3A_587] {strides = array<i32>} : memref<1088xf32, #tpu.memory_space<vmem>>, vector<16xf32>,
      %add3A_589 = arith.addf %get3A_586, %get3A_588 : vector<16xf32>
      %swap3A_590 = arith.index_cast %rem3A_115 : i32 to index
      %swap3A_591 = arith.constant 240 : index
      %swap3A_592 = tpu.vector_load %arg6[%swap3A_590, %swap3A_591] {strides = array<i32>} : memref<2x512xf32, #tpu.memory_space<vmem>>, vector<16xf32>,
      tpu.vector_store %arg6[%swap3A_590, %swap3A_591], %add3A_589 {strides = array<i32>} : memref<2x512xf32, #tpu.memory_space<vmem>>, vector<16xf32>,
      %get3A_593 = arith.constant 256 : index
      %get3A_594 = tpu.vector_load %arg5[%get3A_593] {strides = array<i32>} : memref<1088xf32, #tpu.memory_space<vmem>>, vector<16xf32>,
      %get3A_595 = arith.constant 800 : index
      %get3A_596 = tpu.vector_load %arg5[%get3A_595] {strides = array<i32>} : memref<1088xf32, #tpu.memory_space<vmem>>, vector<16xf32>,
      %add3A_597 = arith.addf %get3A_594, %get3A_596 : vector<16xf32>
      %swap3A_598 = arith.index_cast %rem3A_115 : i32 to index
      %swap3A_599 = arith.constant 256 : index
      %swap3A_600 = tpu.vector_load %arg6[%swap3A_598, %swap3A_599] {strides = array<i32>} : memref<2x512xf32, #tpu.memory_space<vmem>>, vector<16xf32>,
      tpu.vector_store %arg6[%swap3A_598, %swap3A_599], %add3A_597 {strides = array<i32>} : memref<2x512xf32, #tpu.memory_space<vmem>>, vector<16xf32>,
      %get3A_601 = arith.constant 272 : index
      %get3A_602 = tpu.vector_load %arg5[%get3A_601] {strides = array<i32>} : memref<1088xf32, #tpu.memory_space<vmem>>, vector<16xf32>,
      %get3A_603 = arith.constant 816 : index
      %get3A_604 = tpu.vector_load %arg5[%get3A_603] {strides = array<i32>} : memref<1088xf32, #tpu.memory_space<vmem>>, vector<16xf32>,
      %add3A_605 = arith.addf %get3A_602, %get3A_604 : vector<16xf32>
      %swap3A_606 = arith.index_cast %rem3A_115 : i32 to index
      %swap3A_607 = arith.constant 272 : index
      %swap3A_608 = tpu.vector_load %arg6[%swap3A_606, %swap3A_607] {strides = array<i32>} : memref<2x512xf32, #tpu.memory_space<vmem>>, vector<16xf32>,
      tpu.vector_store %arg6[%swap3A_606, %swap3A_607], %add3A_605 {strides = array<i32>} : memref<2x512xf32, #tpu.memory_space<vmem>>, vector<16xf32>,
      %get3A_609 = arith.constant 288 : index
      %get3A_610 = tpu.vector_load %arg5[%get3A_609] {strides = array<i32>} : memref<1088xf32, #tpu.memory_space<vmem>>, vector<16xf32>,
      %get3A_611 = arith.constant 832 : index
      %get3A_612 = tpu.vector_load %arg5[%get3A_611] {strides = array<i32>} : memref<1088xf32, #tpu.memory_space<vmem>>, vector<16xf32>,
      %add3A_613 = arith.addf %get3A_610, %get3A_612 : vector<16xf32>
      %swap3A_614 = arith.index_cast %rem3A_115 : i32 to index
      %swap3A_615 = arith.constant 288 : index
      %swap3A_616 = tpu.vector_load %arg6[%swap3A_614, %swap3A_615] {strides = array<i32>} : memref<2x512xf32, #tpu.memory_space<vmem>>, vector<16xf32>,
      tpu.vector_store %arg6[%swap3A_614, %swap3A_615], %add3A_613 {strides = array<i32>} : memref<2x512xf32, #tpu.memory_space<vmem>>, vector<16xf32>,
      %get3A_617 = arith.constant 304 : index
      %get3A_618 = tpu.vector_load %arg5[%get3A_617] {strides = array<i32>} : memref<1088xf32, #tpu.memory_space<vmem>>, vector<16xf32>,
      %get3A_619 = arith.constant 848 : index
      %get3A_620 = tpu.vector_load %arg5[%get3A_619] {strides = array<i32>} : memref<1088xf32, #tpu.memory_space<vmem>>, vector<16xf32>,
      %add3A_621 = arith.addf %get3A_618, %get3A_620 : vector<16xf32>
      %swap3A_622 = arith.index_cast %rem3A_115 : i32 to index
      %swap3A_623 = arith.constant 304 : index
      %swap3A_624 = tpu.vector_load %arg6[%swap3A_622, %swap3A_623] {strides = array<i32>} : memref<2x512xf32, #tpu.memory_space<vmem>>, vector<16xf32>,
      tpu.vector_store %arg6[%swap3A_622, %swap3A_623], %add3A_621 {strides = array<i32>} : memref<2x512xf32, #tpu.memory_space<vmem>>, vector<16xf32>,
      %get3A_625 = arith.constant 320 : index
      %get3A_626 = tpu.vector_load %arg5[%get3A_625] {strides = array<i32>} : memref<1088xf32, #tpu.memory_space<vmem>>, vector<16xf32>,
      %get3A_627 = arith.constant 864 : index
      %get3A_628 = tpu.vector_load %arg5[%get3A_627] {strides = array<i32>} : memref<1088xf32, #tpu.memory_space<vmem>>, vector<16xf32>,
      %add3A_629 = arith.addf %get3A_626, %get3A_628 : vector<16xf32>
      %swap3A_630 = arith.index_cast %rem3A_115 : i32 to index
      %swap3A_631 = arith.constant 320 : index
      %swap3A_632 = tpu.vector_load %arg6[%swap3A_630, %swap3A_631] {strides = array<i32>} : memref<2x512xf32, #tpu.memory_space<vmem>>, vector<16xf32>,
      tpu.vector_store %arg6[%swap3A_630, %swap3A_631], %add3A_629 {strides = array<i32>} : memref<2x512xf32, #tpu.memory_space<vmem>>, vector<16xf32>,
      %get3A_633 = arith.constant 336 : index
      %get3A_634 = tpu.vector_load %arg5[%get3A_633] {strides = array<i32>} : memref<1088xf32, #tpu.memory_space<vmem>>, vector<16xf32>,
      %get3A_635 = arith.constant 880 : index
      %get3A_636 = tpu.vector_load %arg5[%get3A_635] {strides = array<i32>} : memref<1088xf32, #tpu.memory_space<vmem>>, vector<16xf32>,
      %add3A_637 = arith.addf %get3A_634, %get3A_636 : vector<16xf32>
      %swap3A_638 = arith.index_cast %rem3A_115 : i32 to index
      %swap3A_639 = arith.constant 336 : index
      %swap3A_640 = tpu.vector_load %arg6[%swap3A_638, %swap3A_639] {strides = array<i32>} : memref<2x512xf32, #tpu.memory_space<vmem>>, vector<16xf32>,
      tpu.vector_store %arg6[%swap3A_638, %swap3A_639], %add3A_637 {strides = array<i32>} : memref<2x512xf32, #tpu.memory_space<vmem>>, vector<16xf32>,
      %get3A_641 = arith.constant 352 : index
      %get3A_642 = tpu.vector_load %arg5[%get3A_641] {strides = array<i32>} : memref<1088xf32, #tpu.memory_space<vmem>>, vector<16xf32>,
      %get3A_643 = arith.constant 896 : index
      %get3A_644 = tpu.vector_load %arg5[%get3A_643] {strides = array<i32>} : memref<1088xf32, #tpu.memory_space<vmem>>, vector<16xf32>,
      %add3A_645 = arith.addf %get3A_642, %get3A_644 : vector<16xf32>
      %swap3A_646 = arith.index_cast %rem3A_115 : i32 to index
      %swap3A_647 = arith.constant 352 : index
      %swap3A_648 = tpu.vector_load %arg6[%swap3A_646, %swap3A_647] {strides = array<i32>} : memref<2x512xf32, #tpu.memory_space<vmem>>, vector<16xf32>,
      tpu.vector_store %arg6[%swap3A_646, %swap3A_647], %add3A_645 {strides = array<i32>} : memref<2x512xf32, #tpu.memory_space<vmem>>, vector<16xf32>,
      %get3A_649 = arith.constant 368 : index
      %get3A_650 = tpu.vector_load %arg5[%get3A_649] {strides = array<i32>} : memref<1088xf32, #tpu.memory_space<vmem>>, vector<16xf32>,
      %get3A_651 = arith.constant 912 : index
      %get3A_652 = tpu.vector_load %arg5[%get3A_651] {strides = array<i32>} : memref<1088xf32, #tpu.memory_space<vmem>>, vector<16xf32>,
      %add3A_653 = arith.addf %get3A_650, %get3A_652 : vector<16xf32>
      %swap3A_654 = arith.index_cast %rem3A_115 : i32 to index
      %swap3A_655 = arith.constant 368 : index
      %swap3A_656 = tpu.vector_load %arg6[%swap3A_654, %swap3A_655] {strides = array<i32>} : memref<2x512xf32, #tpu.memory_space<vmem>>, vector<16xf32>,
      tpu.vector_store %arg6[%swap3A_654, %swap3A_655], %add3A_653 {strides = array<i32>} : memref<2x512xf32, #tpu.memory_space<vmem>>, vector<16xf32>,
      %get3A_657 = arith.constant 384 : index
      %get3A_658 = tpu.vector_load %arg5[%get3A_657] {strides = array<i32>} : memref<1088xf32, #tpu.memory_space<vmem>>, vector<16xf32>,
      %get3A_659 = arith.constant 928 : index
      %get3A_660 = tpu.vector_load %arg5[%get3A_659] {strides = array<i32>} : memref<1088xf32, #tpu.memory_space<vmem>>, vector<16xf32>,
      %add3A_661 = arith.addf %get3A_658, %get3A_660 : vector<16xf32>
      %swap3A_662 = arith.index_cast %rem3A_115 : i32 to index
      %swap3A_663 = arith.constant 384 : index
      %swap3A_664 = tpu.vector_load %arg6[%swap3A_662, %swap3A_663] {strides = array<i32>} : memref<2x512xf32, #tpu.memory_space<vmem>>, vector<16xf32>,
      tpu.vector_store %arg6[%swap3A_662, %swap3A_663], %add3A_661 {strides = array<i32>} : memref<2x512xf32, #tpu.memory_space<vmem>>, vector<16xf32>,
      %get3A_665 = arith.constant 400 : index
      %get3A_666 = tpu.vector_load %arg5[%get3A_665] {strides = array<i32>} : memref<1088xf32, #tpu.memory_space<vmem>>, vector<16xf32>,
      %get3A_667 = arith.constant 944 : index
      %get3A_668 = tpu.vector_load %arg5[%get3A_667] {strides = array<i32>} : memref<1088xf32, #tpu.memory_space<vmem>>, vector<16xf32>,
      %add3A_669 = arith.addf %get3A_666, %get3A_668 : vector<16xf32>
      %swap3A_670 = arith.index_cast %rem3A_115 : i32 to index
      %swap3A_671 = arith.constant 400 : index
      %swap3A_672 = tpu.vector_load %arg6[%swap3A_670, %swap3A_671] {strides = array<i32>} : memref<2x512xf32, #tpu.memory_space<vmem>>, vector<16xf32>,
      tpu.vector_store %arg6[%swap3A_670, %swap3A_671], %add3A_669 {strides = array<i32>} : memref<2x512xf32, #tpu.memory_space<vmem>>, vector<16xf32>,
      %get3A_673 = arith.constant 416 : index
      %get3A_674 = tpu.vector_load %arg5[%get3A_673] {strides = array<i32>} : memref<1088xf32, #tpu.memory_space<vmem>>, vector<16xf32>,
      %get3A_675 = arith.constant 960 : index
      %get3A_676 = tpu.vector_load %arg5[%get3A_675] {strides = array<i32>} : memref<1088xf32, #tpu.memory_space<vmem>>, vector<16xf32>,
      %add3A_677 = arith.addf %get3A_674, %get3A_676 : vector<16xf32>
      %swap3A_678 = arith.index_cast %rem3A_115 : i32 to index
      %swap3A_679 = arith.constant 416 : index
      %swap3A_680 = tpu.vector_load %arg6[%swap3A_678, %swap3A_679] {strides = array<i32>} : memref<2x512xf32, #tpu.memory_space<vmem>>, vector<16xf32>,
      tpu.vector_store %arg6[%swap3A_678, %swap3A_679], %add3A_677 {strides = array<i32>} : memref<2x512xf32, #tpu.memory_space<vmem>>, vector<16xf32>,
      %get3A_681 = arith.constant 432 : index
      %get3A_682 = tpu.vector_load %arg5[%get3A_681] {strides = array<i32>} : memref<1088xf32, #tpu.memory_space<vmem>>, vector<16xf32>,
      %get3A_683 = arith.constant 976 : index
      %get3A_684 = tpu.vector_load %arg5[%get3A_683] {strides = array<i32>} : memref<1088xf32, #tpu.memory_space<vmem>>, vector<16xf32>,
      %add3A_685 = arith.addf %get3A_682, %get3A_684 : vector<16xf32>
      %swap3A_686 = arith.index_cast %rem3A_115 : i32 to index
      %swap3A_687 = arith.constant 432 : index
      %swap3A_688 = tpu.vector_load %arg6[%swap3A_686, %swap3A_687] {strides = array<i32>} : memref<2x512xf32, #tpu.memory_space<vmem>>, vector<16xf32>,
      tpu.vector_store %arg6[%swap3A_686, %swap3A_687], %add3A_685 {strides = array<i32>} : memref<2x512xf32, #tpu.memory_space<vmem>>, vector<16xf32>,
      %get3A_689 = arith.constant 448 : index
      %get3A_690 = tpu.vector_load %arg5[%get3A_689] {strides = array<i32>} : memref<1088xf32, #tpu.memory_space<vmem>>, vector<16xf32>,
      %get3A_691 = arith.constant 992 : index
      %get3A_692 = tpu.vector_load %arg5[%get3A_691] {strides = array<i32>} : memref<1088xf32, #tpu.memory_space<vmem>>, vector<16xf32>,
      %add3A_693 = arith.addf %get3A_690, %get3A_692 : vector<16xf32>
      %swap3A_694 = arith.index_cast %rem3A_115 : i32 to index
      %swap3A_695 = arith.constant 448 : index
      %swap3A_696 = tpu.vector_load %arg6[%swap3A_694, %swap3A_695] {strides = array<i32>} : memref<2x512xf32, #tpu.memory_space<vmem>>, vector<16xf32>,
      tpu.vector_store %arg6[%swap3A_694, %swap3A_695], %add3A_693 {strides = array<i32>} : memref<2x512xf32, #tpu.memory_space<vmem>>, vector<16xf32>,
      %get3A_697 = arith.constant 464 : index
      %get3A_698 = tpu.vector_load %arg5[%get3A_697] {strides = array<i32>} : memref<1088xf32, #tpu.memory_space<vmem>>, vector<16xf32>,
      %get3A_699 = arith.constant 1008 : index
      %get3A_700 = tpu.vector_load %arg5[%get3A_699] {strides = array<i32>} : memref<1088xf32, #tpu.memory_space<vmem>>, vector<16xf32>,
      %add3A_701 = arith.addf %get3A_698, %get3A_700 : vector<16xf32>
      %swap3A_702 = arith.index_cast %rem3A_115 : i32 to index
      %swap3A_703 = arith.constant 464 : index
      %swap3A_704 = tpu.vector_load %arg6[%swap3A_702, %swap3A_703] {strides = array<i32>} : memref<2x512xf32, #tpu.memory_space<vmem>>, vector<16xf32>,
      tpu.vector_store %arg6[%swap3A_702, %swap3A_703], %add3A_701 {strides = array<i32>} : memref<2x512xf32, #tpu.memory_space<vmem>>, vector<16xf32>,
      %get3A_705 = arith.constant 480 : index
      %get3A_706 = tpu.vector_load %arg5[%get3A_705] {strides = array<i32>} : memref<1088xf32, #tpu.memory_space<vmem>>, vector<16xf32>,
      %get3A_707 = arith.constant 1024 : index
      %get3A_708 = tpu.vector_load %arg5[%get3A_707] {strides = array<i32>} : memref<1088xf32, #tpu.memory_space<vmem>>, vector<16xf32>,
      %add3A_709 = arith.addf %get3A_706, %get3A_708 : vector<16xf32>
      %swap3A_710 = arith.index_cast %rem3A_115 : i32 to index
      %swap3A_711 = arith.constant 480 : index
      %swap3A_712 = tpu.vector_load %arg6[%swap3A_710, %swap3A_711] {strides = array<i32>} : memref<2x512xf32, #tpu.memory_space<vmem>>, vector<16xf32>,
      tpu.vector_store %arg6[%swap3A_710, %swap3A_711], %add3A_709 {strides = array<i32>} : memref<2x512xf32, #tpu.memory_space<vmem>>, vector<16xf32>,
      %get3A_713 = arith.constant 496 : index
      %get3A_714 = tpu.vector_load %arg5[%get3A_713] {strides = array<i32>} : memref<1088xf32, #tpu.memory_space<vmem>>, vector<16xf32>,
      %get3A_715 = arith.constant 1040 : index
      %get3A_716 = tpu.vector_load %arg5[%get3A_715] {strides = array<i32>} : memref<1088xf32, #tpu.memory_space<vmem>>, vector<16xf32>,
      %add3A_717 = arith.addf %get3A_714, %get3A_716 : vector<16xf32>
      %swap3A_718 = arith.index_cast %rem3A_115 : i32 to index
      %swap3A_719 = arith.constant 496 : index
      %swap3A_720 = tpu.vector_load %arg6[%swap3A_718, %swap3A_719] {strides = array<i32>} : memref<2x512xf32, #tpu.memory_space<vmem>>, vector<16xf32>,
      tpu.vector_store %arg6[%swap3A_718, %swap3A_719], %add3A_717 {strides = array<i32>} : memref<2x512xf32, #tpu.memory_space<vmem>>, vector<16xf32>,
      %dma_start3A_721 = arith.constant 0 : i32
      %dma_start3A_722 = tpu.memref_slice %arg6[%rem3A_115, %dma_start3A_721] : memref<2x512xf32, #tpu.memory_space<vmem>> -> memref<1x512xf32, #tpu.memory_space<vmem>>
      %dma_start3A_723 = tpu.memref_squeeze %dma_start3A_722 : memref<1x512xf32, #tpu.memory_space<vmem>> -> memref<512xf32, #tpu.memory_space<vmem>>
      %dma_start3A_724 = arith.constant 0 : i32
      %dma_start3A_725 = tpu.memref_slice %arg3[%add3A_118, %dma_start3A_724] : memref<1024x512xf32, #tpu.memory_space<hbm>> -> memref<1x512xf32, #tpu.memory_space<hbm>>
      %dma_start3A_726 = tpu.memref_squeeze %dma_start3A_725 : memref<1x512xf32, #tpu.memory_space<hbm>> -> memref<512xf32, #tpu.memory_space<hbm>>
      %dma_start3A_727 = arith.constant 0 : i32
      %dma_start3A_728 = tpu.memref_slice %arg3[%add3A_118, %dma_start3A_727] : memref<1024x512xf32, #tpu.memory_space<hbm>> -> memref<1x512xf32, #tpu.memory_space<hbm>>
      %dma_start3A_729 = tpu.memref_squeeze %dma_start3A_728 : memref<1x512xf32, #tpu.memory_space<hbm>> -> memref<512xf32, #tpu.memory_space<hbm>>
      %dma_start3A_730 = arith.constant 0 : i32
      %dma_start3A_731 = tpu.memref_slice %arg6[%rem3A_115, %dma_start3A_730] : memref<2x512xf32, #tpu.memory_space<vmem>> -> memref<1x512xf32, #tpu.memory_space<vmem>>
      %dma_start3A_732 = tpu.memref_squeeze %dma_start3A_731 : memref<1x512xf32, #tpu.memory_space<vmem>> -> memref<512xf32, #tpu.memory_space<vmem>>
      tpu.enqueue_dma source(%dma_start3A_732 : memref<512xf32, #tpu.memory_space<vmem>>) target(%dma_start3A_729 : memref<512xf32, #tpu.memory_space<hbm>>) target_semaphore(%arg8 : memref<!tpu.dma_semaphore, #tpu.memory_space<semaphore_mem>>)
    }
    %scan3A_79 = arith.constant 32 : i32
    %add3A_80 = arith.constant 960 : i32
    %add3A_81 = arith.addi %add3A_80, %add3A : i32
    %dma_wait3A = arith.constant 0 : i32
    %dma_wait3A_82 = arith.constant 0 : i32
    %dma_wait3A_83 = tpu.memref_slice %arg6[%dma_wait3A, %dma_wait3A_82] : memref<2x512xf32, #tpu.memory_space<vmem>> -> memref<1x512xf32, #tpu.memory_space<vmem>>
    %dma_wait3A_84 = tpu.memref_squeeze %dma_wait3A_83 : memref<1x512xf32, #tpu.memory_space<vmem>> -> memref<512xf32, #tpu.memory_space<vmem>>
    %dma_wait3A_85 = arith.constant 0 : i32
    %dma_wait3A_86 = tpu.memref_slice %arg3[%add3A_81, %dma_wait3A_85] : memref<1024x512xf32, #tpu.memory_space<hbm>> -> memref<1x512xf32, #tpu.memory_space<hbm>>
    %dma_wait3A_87 = tpu.memref_squeeze %dma_wait3A_86 : memref<1x512xf32, #tpu.memory_space<hbm>> -> memref<512xf32, #tpu.memory_space<hbm>>
    %dma_wait3A_88 = arith.constant 0 : i32
    %dma_wait3A_89 = tpu.memref_slice %arg3[%add3A_81, %dma_wait3A_88] : memref<1024x512xf32, #tpu.memory_space<hbm>> -> memref<1x512xf32, #tpu.memory_space<hbm>>
    %dma_wait3A_90 = tpu.memref_squeeze %dma_wait3A_89 : memref<1x512xf32, #tpu.memory_space<hbm>> -> memref<512xf32, #tpu.memory_space<hbm>>
    %dma_wait3A_91 = arith.constant 0 : i32
    %dma_wait3A_92 = tpu.memref_slice %arg6[%dma_wait3A, %dma_wait3A_91] : memref<2x512xf32, #tpu.memory_space<vmem>> -> memref<1x512xf32, #tpu.memory_space<vmem>>
    %dma_wait3A_93 = tpu.memref_squeeze %dma_wait3A_92 : memref<1x512xf32, #tpu.memory_space<vmem>> -> memref<512xf32, #tpu.memory_space<vmem>>
    tpu.wait_dma2 semaphore(%arg8 : memref<!tpu.dma_semaphore, #tpu.memory_space<semaphore_mem>>) src(%dma_wait3A_93 : memref<512xf32, #tpu.memory_space<vmem>>) dst(%dma_wait3A_90 : memref<512xf32, #tpu.memory_space<hbm>>)
    %add3A_94 = arith.constant 992 : i32
    %add3A_95 = arith.addi %add3A_94, %add3A : i32
    %dma_wait3A_96 = arith.constant 1 : i32
    %dma_wait3A_97 = arith.constant 0 : i32
    %dma_wait3A_98 = tpu.memref_slice %arg6[%dma_wait3A_96, %dma_wait3A_97] : memref<2x512xf32, #tpu.memory_space<vmem>> -> memref<1x512xf32, #tpu.memory_space<vmem>>
    %dma_wait3A_99 = tpu.memref_squeeze %dma_wait3A_98 : memref<1x512xf32, #tpu.memory_space<vmem>> -> memref<512xf32, #tpu.memory_space<vmem>>
    %dma_wait3A_100 = arith.constant 0 : i32
    %dma_wait3A_101 = tpu.memref_slice %arg3[%add3A_95, %dma_wait3A_100] : memref<1024x512xf32, #tpu.memory_space<hbm>> -> memref<1x512xf32, #tpu.memory_space<hbm>>
    %dma_wait3A_102 = tpu.memref_squeeze %dma_wait3A_101 : memref<1x512xf32, #tpu.memory_space<hbm>> -> memref<512xf32, #tpu.memory_space<hbm>>
    %dma_wait3A_103 = arith.constant 0 : i32
    %dma_wait3A_104 = tpu.memref_slice %arg3[%add3A_95, %dma_wait3A_103] : memref<1024x512xf32, #tpu.memory_space<hbm>> -> memref<1x512xf32, #tpu.memory_space<hbm>>
    %dma_wait3A_105 = tpu.memref_squeeze %dma_wait3A_104 : memref<1x512xf32, #tpu.memory_space<hbm>> -> memref<512xf32, #tpu.memory_space<hbm>>
    %dma_wait3A_106 = arith.constant 0 : i32
    %dma_wait3A_107 = tpu.memref_slice %arg6[%dma_wait3A_96, %dma_wait3A_106] : memref<2x512xf32, #tpu.memory_space<vmem>> -> memref<1x512xf32, #tpu.memory_space<vmem>>
    %dma_wait3A_108 = tpu.memref_squeeze %dma_wait3A_107 : memref<1x512xf32, #tpu.memory_space<vmem>> -> memref<512xf32, #tpu.memory_space<vmem>>
    tpu.wait_dma2 semaphore(%arg8 : memref<!tpu.dma_semaphore, #tpu.memory_space<semaphore_mem>>) src(%dma_wait3A_108 : memref<512xf32, #tpu.memory_space<vmem>>) dst(%dma_wait3A_105 : memref<512xf32, #tpu.memory_space<hbm>>)
    return
  }
}

module attributes {stable_mosaic.version = 14 : i64} {
  func.func @_codes_body(%arg0: i32, %arg1: i32, %arg2: memref<1x256x64xf32, #tpu.memory_space<vmem>>, %arg3: memref<1x16x64xf32, #tpu.memory_space<vmem>>, %arg4: memref<256x32xf32, #tpu.memory_space<vmem>>, %arg5: memref<8x48xi32, #tpu.memory_space<vmem>>, %arg6: memref<16x8x256xi32, #tpu.memory_space<vmem>>, %arg7: memref<512x96xf32, #tpu.memory_space<vmem>>, %arg8: memref<256x96xf32, #tpu.memory_space<vmem>>) attributes {dimension_semantics = [#tpu.dimension_semantics<arbitrary>, #tpu.dimension_semantics<arbitrary>], iteration_bounds = array<i64: 4, 16>, scalar_prefetch = 0 : i64, scratch_operands = 2 : i64, tpu.core_type = #tpu.core_type<tc>, window_params = [{transform_indices = @transform_0, window_bounds = array<i64: 1, 256, 64>}, {transform_indices = @transform_1, window_bounds = array<i64: 1, 16, 64>}, {pipeline_mode = #tpu.pipeline_mode<synchronous>, transform_indices = @transform_2, window_bounds = array<i64: 256, 32>}, {pipeline_mode = #tpu.pipeline_mode<synchronous>, transform_indices = @transform_3, window_bounds = array<i64: 8, 48>}, {transform_indices = @transform_4, window_bounds = array<i64: 16, 8, 256>}]} {
    %get3A = arith.constant 0 : index
    %get3A_0 = arith.constant 0 : index
    %get3A_1 = vector.load %arg5[%get3A, %get3A_0] : memref<8x48xi32, #tpu.memory_space<vmem>>, vector<1x48xi32>
    %get3A_2 = arith.constant 1 : index
    %get3A_3 = arith.constant 0 : index
    %get3A_4 = vector.load %arg5[%get3A_2, %get3A_3] : memref<8x48xi32, #tpu.memory_space<vmem>>, vector<1x48xi32>
    %eq3A = arith.constant 0 : i32
    %eq3A_5 = arith.cmpi eq, %arg1, %eq3A : i32
    %convert_element_type3A = arith.extui %eq3A_5 : i1 to i32
    %cond3A = arith.constant 0 : i32
    %cond3A_6 = arith.cmpi ne, %convert_element_type3A, %cond3A : i32
    scf.if %cond3A_6 {
      %iota3A_548 = tpu.iota {dimensions = array<i32: 0>} : vector<64x48xi32>
      %add3A_549 = arith.constant 0 : i32
      %add3A_550 = vector.broadcast %add3A_549 : i32 to vector<64x48xi32>
      %add3A_551 = arith.addi %iota3A_548, %add3A_550 : vector<64x48xi32>
      %eq3A_552 = vector.broadcast %get3A_1 : vector<1x48xi32> to vector<64x48xi32>
      %eq3A_553 = arith.cmpi eq, %add3A_551, %eq3A_552 : vector<64x48xi32>
      %convert_element_type3A_554 = arith.extui %eq3A_553 : vector<64x48xi1> to vector<64x48xi32>
      %convert_element_type3A_555 = arith.sitofp %convert_element_type3A_554 : vector<64x48xi32> to vector<64x48xf32>
      %eq3A_556 = vector.broadcast %get3A_4 : vector<1x48xi32> to vector<64x48xi32>
      %eq3A_557 = arith.cmpi eq, %add3A_551, %eq3A_556 : vector<64x48xi32>
      %convert_element_type3A_558 = arith.extui %eq3A_557 : vector<64x48xi1> to vector<64x48xi32>
      %convert_element_type3A_559 = arith.sitofp %convert_element_type3A_558 : vector<64x48xi32> to vector<64x48xf32>
      %sub3A_560 = arith.subf %convert_element_type3A_555, %convert_element_type3A_559 : vector<64x48xf32>
      %iota3A_561 = tpu.iota {dimensions = array<i32: 0>} : vector<32x48xi32>
      %add3A_562 = arith.constant 128 : i32
      %add3A_563 = vector.broadcast %add3A_562 : i32 to vector<32x48xi32>
      %add3A_564 = arith.addi %iota3A_561, %add3A_563 : vector<32x48xi32>
      %eq3A_565 = vector.broadcast %get3A_1 : vector<1x48xi32> to vector<32x48xi32>
      %eq3A_566 = arith.cmpi eq, %add3A_564, %eq3A_565 : vector<32x48xi32>
      %convert_element_type3A_567 = arith.extui %eq3A_566 : vector<32x48xi1> to vector<32x48xi32>
      %convert_element_type3A_568 = arith.sitofp %convert_element_type3A_567 : vector<32x48xi32> to vector<32x48xf32>
      %eq3A_569 = vector.broadcast %get3A_4 : vector<1x48xi32> to vector<32x48xi32>
      %eq3A_570 = arith.cmpi eq, %add3A_564, %eq3A_569 : vector<32x48xi32>
      %convert_element_type3A_571 = arith.extui %eq3A_570 : vector<32x48xi1> to vector<32x48xi32>
      %convert_element_type3A_572 = arith.sitofp %convert_element_type3A_571 : vector<32x48xi32> to vector<32x48xf32>
      %sub3A_573 = arith.subf %convert_element_type3A_568, %convert_element_type3A_572 : vector<32x48xf32>
      %get3A_574 = arith.constant 0 : index
      %get3A_575 = arith.constant 0 : index
      %get3A_576 = arith.constant 0 : index
      %get3A_577 = vector.load %arg2[%get3A_574, %get3A_575, %get3A_576] : memref<1x256x64xf32, #tpu.memory_space<vmem>>, vector<1x256x64xf32>
      %get3A_578 = vector.shape_cast %get3A_577 : vector<1x256x64xf32> to vector<256x64xf32>
      %dot_general3A_579 = arith.constant dense<0.000000e+00> : vector<256x48xf32>
      %dot_general3A_580 = tpu.matmul %get3A_578, %sub3A_560, %dot_general3A_579 {dimension_numbers = #tpu.dot_dimension_numbers<[1], [0], [0], [1], [0, 0, 1, 1], [], []>, precision = #tpu.contract_precision<fp32>, transpose_lhs_hint = false} : vector<256x64xf32>, vector<64x48xf32>, vector<256x48xf32> -> vector<256x48xf32>
      %iota3A_581 = tpu.iota {dimensions = array<i32: 0>} : vector<256x256xi32>
      %iota3A_582 = tpu.iota {dimensions = array<i32: 1>} : vector<256x256xi32>
      %add3A_583 = arith.addi %iota3A_581, %iota3A_582 : vector<256x256xi32>
      %eq3A_584 = arith.constant 255 : i32
      %eq3A_585 = vector.broadcast %eq3A_584 : i32 to vector<256x256xi32>
      %eq3A_586 = arith.cmpi eq, %add3A_583, %eq3A_585 : vector<256x256xi32>
      %convert_element_type3A_587 = arith.extui %eq3A_586 : vector<256x256xi1> to vector<256x256xi32>
      %convert_element_type3A_588 = arith.sitofp %convert_element_type3A_587 : vector<256x256xi32> to vector<256x256xf32>
      %dot_general3A_589 = arith.constant dense<0.000000e+00> : vector<256x48xf32>
      %dot_general3A_590 = tpu.matmul %convert_element_type3A_588, %dot_general3A_580, %dot_general3A_589 {dimension_numbers = #tpu.dot_dimension_numbers<[1], [0], [0], [1], [0, 0, 1, 1], [], []>, precision = #tpu.contract_precision<fp32>, transpose_lhs_hint = false} : vector<256x256xf32>, vector<256x48xf32>, vector<256x48xf32> -> vector<256x48xf32>
      %slice3A_591 = vector.extract_strided_slice %dot_general3A_590 {offsets = [1, 0], sizes = [255, 48], strides = [1, 1]} : vector<256x48xf32> to vector<255x48xf32>
      %slice3A_592 = vector.extract_strided_slice %dot_general3A_590 {offsets = [0, 0], sizes = [1, 48], strides = [1, 1]} : vector<256x48xf32> to vector<1x48xf32>
      %concatenate3A_593 = tpu.concatenate %slice3A_591, %slice3A_592 in 0 : vector<255x48xf32>, vector<1x48xf32> -> vector<256x48xf32>
      %concatenate3A_594 = tpu.concatenate %dot_general3A_590, %concatenate3A_593 in 1 : vector<256x48xf32>, vector<256x48xf32> -> vector<256x96xf32>
      %swap3A_595 = arith.constant 0 : index
      %swap3A_596 = arith.constant 0 : index
      %swap3A_597 = vector.load %arg7[%swap3A_595, %swap3A_596] : memref<512x96xf32, #tpu.memory_space<vmem>>, vector<256x96xf32>
      tpu.vector_store %arg7[%swap3A_595, %swap3A_596], %concatenate3A_594 {strides = array<i32>} : memref<512x96xf32, #tpu.memory_space<vmem>>, vector<256x96xf32>,
      %swap3A_598 = arith.constant 256 : index
      %swap3A_599 = arith.constant 0 : index
      %swap3A_600 = vector.load %arg7[%swap3A_598, %swap3A_599] : memref<512x96xf32, #tpu.memory_space<vmem>>, vector<256x96xf32>
      tpu.vector_store %arg7[%swap3A_598, %swap3A_599], %concatenate3A_594 {strides = array<i32>} : memref<512x96xf32, #tpu.memory_space<vmem>>, vector<256x96xf32>,
      %get3A_601 = arith.constant 0 : index
      %get3A_602 = arith.constant 0 : index
      %get3A_603 = vector.load %arg4[%get3A_601, %get3A_602] : memref<256x32xf32, #tpu.memory_space<vmem>>, vector<256x32xf32>
      %dot_general3A_604 = arith.constant dense<0.000000e+00> : vector<256x48xf32>
      %dot_general3A_605 = tpu.matmul %get3A_603, %sub3A_573, %dot_general3A_604 {dimension_numbers = #tpu.dot_dimension_numbers<[1], [0], [0], [1], [0, 0, 1, 1], [], []>, precision = #tpu.contract_precision<fp32>, transpose_lhs_hint = false} : vector<256x32xf32>, vector<32x48xf32>, vector<256x48xf32> -> vector<256x48xf32>
      %concatenate3A_606 = tpu.concatenate %dot_general3A_605, %dot_general3A_605 in 1 : vector<256x48xf32>, vector<256x48xf32> -> vector<256x96xf32>
      %swap3A_607 = arith.constant 0 : index
      %swap3A_608 = arith.constant 0 : index
      %swap3A_609 = vector.load %arg8[%swap3A_607, %swap3A_608] : memref<256x96xf32, #tpu.memory_space<vmem>>, vector<256x96xf32>
      tpu.vector_store %arg8[%swap3A_607, %swap3A_608], %concatenate3A_606 {strides = array<i32>} : memref<256x96xf32, #tpu.memory_space<vmem>>, vector<256x96xf32>,
    } else {
    }
    %iota3A = tpu.iota {dimensions = array<i32: 0>} : vector<64x48xi32>
    %add3A = arith.constant 64 : i32
    %add3A_7 = vector.broadcast %add3A : i32 to vector<64x48xi32>
    %add3A_8 = arith.addi %iota3A, %add3A_7 : vector<64x48xi32>
    %eq3A_9 = vector.broadcast %get3A_4 : vector<1x48xi32> to vector<64x48xi32>
    %eq3A_10 = arith.cmpi eq, %add3A_8, %eq3A_9 : vector<64x48xi32>
    %convert_element_type3A_11 = arith.extui %eq3A_10 : vector<64x48xi1> to vector<64x48xi32>
    %convert_element_type3A_12 = arith.sitofp %convert_element_type3A_11 : vector<64x48xi32> to vector<64x48xf32>
    %eq3A_13 = vector.broadcast %get3A_1 : vector<1x48xi32> to vector<64x48xi32>
    %eq3A_14 = arith.cmpi eq, %add3A_8, %eq3A_13 : vector<64x48xi32>
    %convert_element_type3A_15 = arith.extui %eq3A_14 : vector<64x48xi1> to vector<64x48xi32>
    %convert_element_type3A_16 = arith.sitofp %convert_element_type3A_15 : vector<64x48xi32> to vector<64x48xf32>
    %sub3A = arith.subf %convert_element_type3A_12, %convert_element_type3A_16 : vector<64x48xf32>
    %get3A_17 = arith.constant 0 : index
    %get3A_18 = arith.constant 0 : index
    %get3A_19 = arith.constant 0 : index
    %get3A_20 = vector.load %arg3[%get3A_17, %get3A_18, %get3A_19] : memref<1x16x64xf32, #tpu.memory_space<vmem>>, vector<1x16x64xf32>
    %get3A_21 = vector.shape_cast %get3A_20 : vector<1x16x64xf32> to vector<16x64xf32>
    %dot_general3A = arith.constant dense<0.000000e+00> : vector<16x48xf32>
    %dot_general3A_22 = tpu.matmul %get3A_21, %sub3A, %dot_general3A {dimension_numbers = #tpu.dot_dimension_numbers<[1], [0], [0], [1], [0, 0, 1, 1], [], []>, precision = #tpu.contract_precision<fp32>, transpose_lhs_hint = false} : vector<16x64xf32>, vector<64x48xf32>, vector<16x48xf32> -> vector<16x48xf32>
    %get3A_23 = arith.constant 0 : index
    %get3A_24 = arith.constant 0 : index
    %get3A_25 = vector.load %arg8[%get3A_23, %get3A_24] : memref<256x96xf32, #tpu.memory_space<vmem>>, vector<256x96xf32>
    %iota3A_26 = tpu.iota {dimensions = array<i32: 0>} : vector<16x96xi32>
    %iota3A_27 = tpu.iota {dimensions = array<i32: 1>} : vector<16x96xi32>
    %jit3A = arith.constant 6 : i32
    %div3A = vector.broadcast %jit3A : i32 to vector<16x96xi32>
    %div3A_28 = arith.divsi %iota3A_27, %div3A : vector<16x96xi32>
    %sign3A = arith.constant 0 : i32
    %sign3A_29 = vector.broadcast %sign3A : i32 to vector<16x96xi32>
    %sign3A_30 = arith.cmpi sgt, %iota3A_27, %sign3A_29 : vector<16x96xi32>
    %sign3A_31 = arith.extui %sign3A_30 : vector<16x96xi1> to vector<16x96xi32>
    %sign3A_32 = arith.constant 0 : i32
    %sign3A_33 = vector.broadcast %sign3A_32 : i32 to vector<16x96xi32>
    %sign3A_34 = arith.cmpi slt, %iota3A_27, %sign3A_33 : vector<16x96xi32>
    %sign3A_35 = arith.extui %sign3A_34 : vector<16x96xi1> to vector<16x96xi32>
    %sign3A_36 = arith.subi %sign3A_31, %sign3A_35 : vector<16x96xi32>
    %sign3A_37 = arith.constant 0 : i32
    %sign3A_38 = arith.cmpi sgt, %jit3A, %sign3A_37 : i32
    %sign3A_39 = arith.extui %sign3A_38 : i1 to i32
    %sign3A_40 = arith.constant 0 : i32
    %sign3A_41 = arith.cmpi slt, %jit3A, %sign3A_40 : i32
    %sign3A_42 = arith.extui %sign3A_41 : i1 to i32
    %sign3A_43 = arith.subi %sign3A_39, %sign3A_42 : i32
    %ne3A = vector.broadcast %sign3A_43 : i32 to vector<16x96xi32>
    %ne3A_44 = arith.cmpi ne, %sign3A_36, %ne3A : vector<16x96xi32>
    %rem3A = vector.broadcast %jit3A : i32 to vector<16x96xi32>
    %rem3A_45 = arith.remsi %iota3A_27, %rem3A : vector<16x96xi32>
    %ne3A_46 = arith.constant 0 : i32
    %ne3A_47 = vector.broadcast %ne3A_46 : i32 to vector<16x96xi32>
    %ne3A_48 = arith.cmpi ne, %rem3A_45, %ne3A_47 : vector<16x96xi32>
    %and3A = arith.andi %ne3A_44, %ne3A_48 : vector<16x96xi1>
    %sub3A_49 = arith.constant 1 : i32
    %sub3A_50 = vector.broadcast %sub3A_49 : i32 to vector<16x96xi32>
    %sub3A_51 = arith.subi %div3A_28, %sub3A_50 : vector<16x96xi32>
    %select_n3A = arith.select %and3A, %sub3A_51, %div3A_28 : vector<16x96xi1>, vector<16x96xi32>
    %eq3A_52 = arith.cmpi eq, %select_n3A, %iota3A_26 : vector<16x96xi32>
    %jit3A_53 = arith.constant 6 : i32
    %eq3A_54 = arith.constant 0 : i32
    %eq3A_55 = arith.cmpi eq, %jit3A_53, %eq3A_54 : i32
    %jit3A_56 = arith.constant 1 : i32
    %select_n3A_57 = arith.select %eq3A_55, %jit3A_56, %jit3A_53 : i32
    %rem3A_58 = vector.broadcast %select_n3A_57 : i32 to vector<16x96xi32>
    %rem3A_59 = arith.remsi %iota3A_27, %rem3A_58 : vector<16x96xi32>
    %ne3A_60 = arith.constant 0 : i32
    %ne3A_61 = vector.broadcast %ne3A_60 : i32 to vector<16x96xi32>
    %ne3A_62 = arith.cmpi ne, %rem3A_59, %ne3A_61 : vector<16x96xi32>
    %lt3A = arith.constant 0 : i32
    %lt3A_63 = vector.broadcast %lt3A : i32 to vector<16x96xi32>
    %lt3A_64 = arith.cmpi slt, %rem3A_59, %lt3A_63 : vector<16x96xi32>
    %lt3A_65 = arith.constant 0 : i32
    %lt3A_66 = arith.cmpi slt, %select_n3A_57, %lt3A_65 : i32
    %ne3A_67 = vector.broadcast %lt3A_66 : i1 to vector<16x96xi1>
    %ne3A_68 = vector.broadcast %ne3A_67 : vector<16x96xi1> to vector<16x96xi1>
    %ne3A_69 = arith.xori %lt3A_64, %ne3A_68 : vector<16x96xi1>
    %and3A_70 = arith.andi %ne3A_69, %ne3A_62 : vector<16x96xi1>
    %add3A_71 = vector.broadcast %select_n3A_57 : i32 to vector<16x96xi32>
    %add3A_72 = arith.addi %rem3A_59, %add3A_71 : vector<16x96xi32>
    %select_n3A_73 = arith.select %and3A_70, %add3A_72, %rem3A_59 : vector<16x96xi1>, vector<16x96xi32>
    %shift_left3A = arith.constant 1 : i32
    %shift_left3A_74 = vector.broadcast %shift_left3A : i32 to vector<16x96xi32>
    %shift_left3A_75 = arith.shli %shift_left3A_74, %select_n3A_73 : vector<16x96xi32>
    %jit3A_76 = arith.constant 0 : i32
    %broadcast_in_dim3A = vector.broadcast %jit3A_76 : i32 to vector<16x96xi32>
    %select_n3A_77 = arith.select %eq3A_52, %shift_left3A_75, %broadcast_in_dim3A : vector<16x96xi1>, vector<16x96xi32>
    %convert_element_type3A_78 = arith.sitofp %select_n3A_77 : vector<16x96xi32> to vector<16x96xbf16>
    %iota3A_79 = tpu.iota {dimensions = array<i32: 0>} : vector<16x256xi32>
    %iota3A_80 = tpu.iota {dimensions = array<i32: 1>} : vector<16x256xi32>
    %jit3A_81 = arith.constant 8 : i32
    %eq3A_82 = arith.constant 0 : i32
    %eq3A_83 = arith.cmpi eq, %jit3A_81, %eq3A_82 : i32
    %jit3A_84 = arith.constant 1 : i32
    %select_n3A_85 = arith.select %eq3A_83, %jit3A_84, %jit3A_81 : i32
    %rem3A_86 = vector.broadcast %select_n3A_85 : i32 to vector<16x256xi32>
    %rem3A_87 = arith.remsi %iota3A_79, %rem3A_86 : vector<16x256xi32>
    %ne3A_88 = arith.constant 0 : i32
    %ne3A_89 = vector.broadcast %ne3A_88 : i32 to vector<16x256xi32>
    %ne3A_90 = arith.cmpi ne, %rem3A_87, %ne3A_89 : vector<16x256xi32>
    %lt3A_91 = arith.constant 0 : i32
    %lt3A_92 = vector.broadcast %lt3A_91 : i32 to vector<16x256xi32>
    %lt3A_93 = arith.cmpi slt, %rem3A_87, %lt3A_92 : vector<16x256xi32>
    %lt3A_94 = arith.constant 0 : i32
    %lt3A_95 = arith.cmpi slt, %select_n3A_85, %lt3A_94 : i32
    %ne3A_96 = vector.broadcast %lt3A_95 : i1 to vector<16x256xi1>
    %ne3A_97 = vector.broadcast %ne3A_96 : vector<16x256xi1> to vector<16x256xi1>
    %ne3A_98 = arith.xori %lt3A_93, %ne3A_97 : vector<16x256xi1>
    %and3A_99 = arith.andi %ne3A_98, %ne3A_90 : vector<16x256xi1>
    %add3A_100 = vector.broadcast %select_n3A_85 : i32 to vector<16x256xi32>
    %add3A_101 = arith.addi %rem3A_87, %add3A_100 : vector<16x256xi32>
    %select_n3A_102 = arith.select %and3A_99, %add3A_101, %rem3A_87 : vector<16x256xi1>, vector<16x256xi32>
    %mul3A = arith.constant 64 : i32
    %mul3A_103 = vector.broadcast %mul3A : i32 to vector<16x256xi32>
    %mul3A_104 = arith.muli %select_n3A_102, %mul3A_103 : vector<16x256xi32>
    %jit3A_105 = arith.constant 2 : i32
    %eq3A_106 = arith.constant 0 : i32
    %eq3A_107 = arith.cmpi eq, %jit3A_105, %eq3A_106 : i32
    %jit3A_108 = arith.constant 1 : i32
    %select_n3A_109 = arith.select %eq3A_107, %jit3A_108, %jit3A_105 : i32
    %rem3A_110 = vector.broadcast %select_n3A_109 : i32 to vector<16x256xi32>
    %rem3A_111 = arith.remsi %iota3A_80, %rem3A_110 : vector<16x256xi32>
    %ne3A_112 = arith.constant 0 : i32
    %ne3A_113 = vector.broadcast %ne3A_112 : i32 to vector<16x256xi32>
    %ne3A_114 = arith.cmpi ne, %rem3A_111, %ne3A_113 : vector<16x256xi32>
    %lt3A_115 = arith.constant 0 : i32
    %lt3A_116 = vector.broadcast %lt3A_115 : i32 to vector<16x256xi32>
    %lt3A_117 = arith.cmpi slt, %rem3A_111, %lt3A_116 : vector<16x256xi32>
    %lt3A_118 = arith.constant 0 : i32
    %lt3A_119 = arith.cmpi slt, %select_n3A_109, %lt3A_118 : i32
    %ne3A_120 = vector.broadcast %lt3A_119 : i1 to vector<16x256xi1>
    %ne3A_121 = vector.broadcast %ne3A_120 : vector<16x256xi1> to vector<16x256xi1>
    %ne3A_122 = arith.xori %lt3A_117, %ne3A_121 : vector<16x256xi1>
    %and3A_123 = arith.andi %ne3A_122, %ne3A_114 : vector<16x256xi1>
    %add3A_124 = vector.broadcast %select_n3A_109 : i32 to vector<16x256xi32>
    %add3A_125 = arith.addi %rem3A_111, %add3A_124 : vector<16x256xi32>
    %select_n3A_126 = arith.select %and3A_123, %add3A_125, %rem3A_111 : vector<16x256xi1>, vector<16x256xi32>
    %mul3A_127 = arith.constant 544 : i32
    %mul3A_128 = vector.broadcast %mul3A_127 : i32 to vector<16x256xi32>
    %mul3A_129 = arith.muli %select_n3A_126, %mul3A_128 : vector<16x256xi32>
    %mul3A_130 = arith.constant 16 : i32
    %mul3A_131 = arith.muli %arg1, %mul3A_130 : i32
    %add3A_132 = arith.constant 0 : i32
    %add3A_133 = arith.addi %mul3A_131, %add3A_132 : i32
    %add3A_134 = arith.constant 1 : i32
    %add3A_135 = arith.addi %add3A_133, %add3A_134 : i32
    %sub3A_136 = arith.constant 254 : i32
    %sub3A_137 = arith.subi %sub3A_136, %add3A_133 : i32
    %get3A_138 = arith.index_cast %sub3A_137 : i32 to index
    %get3A_139 = arith.constant 0 : index
    %get3A_140 = vector.load %arg7[%get3A_138, %get3A_139] : memref<512x96xf32, #tpu.memory_space<vmem>>, vector<256x96xf32>
    %slice3A = vector.extract_strided_slice %dot_general3A_22 {offsets = [1, 0], sizes = [1, 48], strides = [1, 1]} : vector<16x48xf32> to vector<1x48xf32>
    %slice3A_141 = vector.extract_strided_slice %dot_general3A_22 {offsets = [0, 0], sizes = [1, 48], strides = [1, 1]} : vector<16x48xf32> to vector<1x48xf32>
    %concatenate3A = tpu.concatenate %slice3A, %slice3A_141 in 1 : vector<1x48xf32>, vector<1x48xf32> -> vector<1x96xf32>
    %add3A_142 = arith.addf %get3A_140, %get3A_25 : vector<256x96xf32>
    %gt3A = vector.broadcast %concatenate3A : vector<1x96xf32> to vector<256x96xf32>
    %gt3A_143 = arith.cmpf ogt, %add3A_142, %gt3A : vector<256x96xf32>
    %convert_element_type3A_144 = arith.extui %gt3A_143 : vector<256x96xi1> to vector<256x96xi32>
    %convert_element_type3A_145 = arith.sitofp %convert_element_type3A_144 : vector<256x96xi32> to vector<256x96xf32>
    %convert_element_type3A_146 = arith.truncf %convert_element_type3A_145 : vector<256x96xf32> to vector<256x96xbf16>
    %dot_general3A_147 = arith.constant dense<0.000000e+00> : vector<16x256xf32>
    %dot_general3A_148 = tpu.matmul %convert_element_type3A_78, %convert_element_type3A_146, %dot_general3A_147 {dimension_numbers = #tpu.dot_dimension_numbers<[1], [1], [0], [0], [0, 0, 1, 0], [], []>, transpose_lhs_hint = false} : vector<16x96xbf16>, vector<256x96xbf16>, vector<16x256xf32> -> vector<16x256xf32>
    %convert_element_type3A_149 = arith.fptosi %dot_general3A_148 : vector<16x256xf32> to vector<16x256xi32>
    %add3A_150 = arith.addi %convert_element_type3A_149, %mul3A_104 : vector<16x256xi32>
    %lt3A_151 = arith.constant 8 : i32
    %lt3A_152 = vector.broadcast %lt3A_151 : i32 to vector<16x256xi32>
    %lt3A_153 = arith.cmpi slt, %iota3A_79, %lt3A_152 : vector<16x256xi32>
    %broadcast_in_dim3A_154 = vector.broadcast %add3A_135 : i32 to vector<16x256xi32>
    %broadcast_in_dim3A_155 = vector.broadcast %add3A_133 : i32 to vector<16x256xi32>
    %select_n3A_156 = arith.select %lt3A_153, %broadcast_in_dim3A_154, %broadcast_in_dim3A_155 : vector<16x256xi1>, vector<16x256xi32>
    %ge3A = arith.constant 1 : i32
    %ge3A_157 = vector.broadcast %ge3A : i32 to vector<16x256xi32>
    %ge3A_158 = arith.cmpi sge, %iota3A_80, %ge3A_157 : vector<16x256xi32>
    %le3A = arith.cmpi sle, %iota3A_80, %select_n3A_156 : vector<16x256xi32>
    %and3A_159 = arith.andi %ge3A_158, %le3A : vector<16x256xi1>
    %jit3A_160 = arith.constant 512 : i32
    %broadcast_in_dim3A_161 = vector.broadcast %jit3A_160 : i32 to vector<16x256xi32>
    %select_n3A_162 = arith.select %and3A_159, %add3A_150, %broadcast_in_dim3A_161 : vector<16x256xi1>, vector<16x256xi32>
    %add3A_163 = arith.addi %select_n3A_162, %mul3A_129 : vector<16x256xi32>
    %slice3A_164 = vector.extract_strided_slice %add3A_163 {offsets = [8, 0], sizes = [8, 256], strides = [1, 1]} : vector<16x256xi32> to vector<8x256xi32>
    %swap3A = arith.constant 0 : index
    %swap3A_165 = arith.constant 0 : index
    %swap3A_166 = arith.constant 0 : index
    %swap3A_167 = vector.load %arg6[%swap3A, %swap3A_165, %swap3A_166] : memref<16x8x256xi32, #tpu.memory_space<vmem>>, vector<1x8x256xi32>
    %swap3A_168 = vector.shape_cast %swap3A_167 : vector<1x8x256xi32> to vector<8x256xi32>
    %swap3A_169 = vector.shape_cast %slice3A_164 : vector<8x256xi32> to vector<1x8x256xi32>
    tpu.vector_store %arg6[%swap3A, %swap3A_165, %swap3A_166], %swap3A_169 {strides = array<i32>} : memref<16x8x256xi32, #tpu.memory_space<vmem>>, vector<1x8x256xi32>,
    %slice3A_170 = vector.extract_strided_slice %add3A_163 {offsets = [0, 0], sizes = [8, 256], strides = [1, 1]} : vector<16x256xi32> to vector<8x256xi32>
    %swap3A_171 = arith.constant 1 : index
    %swap3A_172 = arith.constant 0 : index
    %swap3A_173 = arith.constant 0 : index
    %swap3A_174 = vector.load %arg6[%swap3A_171, %swap3A_172, %swap3A_173] : memref<16x8x256xi32, #tpu.memory_space<vmem>>, vector<1x8x256xi32>
    %swap3A_175 = vector.shape_cast %swap3A_174 : vector<1x8x256xi32> to vector<8x256xi32>
    %swap3A_176 = vector.shape_cast %slice3A_170 : vector<8x256xi32> to vector<1x8x256xi32>
    tpu.vector_store %arg6[%swap3A_171, %swap3A_172, %swap3A_173], %swap3A_176 {strides = array<i32>} : memref<16x8x256xi32, #tpu.memory_space<vmem>>, vector<1x8x256xi32>,
    %mul3A_177 = arith.constant 16 : i32
    %mul3A_178 = arith.muli %arg1, %mul3A_177 : i32
    %add3A_179 = arith.constant 2 : i32
    %add3A_180 = arith.addi %mul3A_178, %add3A_179 : i32
    %add3A_181 = arith.constant 1 : i32
    %add3A_182 = arith.addi %add3A_180, %add3A_181 : i32
    %sub3A_183 = arith.constant 254 : i32
    %sub3A_184 = arith.subi %sub3A_183, %add3A_180 : i32
    %get3A_185 = arith.index_cast %sub3A_184 : i32 to index
    %get3A_186 = arith.constant 0 : index
    %get3A_187 = vector.load %arg7[%get3A_185, %get3A_186] : memref<512x96xf32, #tpu.memory_space<vmem>>, vector<256x96xf32>
    %slice3A_188 = vector.extract_strided_slice %dot_general3A_22 {offsets = [3, 0], sizes = [1, 48], strides = [1, 1]} : vector<16x48xf32> to vector<1x48xf32>
    %slice3A_189 = vector.extract_strided_slice %dot_general3A_22 {offsets = [2, 0], sizes = [1, 48], strides = [1, 1]} : vector<16x48xf32> to vector<1x48xf32>
    %concatenate3A_190 = tpu.concatenate %slice3A_188, %slice3A_189 in 1 : vector<1x48xf32>, vector<1x48xf32> -> vector<1x96xf32>
    %add3A_191 = arith.addf %get3A_187, %get3A_25 : vector<256x96xf32>
    %gt3A_192 = vector.broadcast %concatenate3A_190 : vector<1x96xf32> to vector<256x96xf32>
    %gt3A_193 = arith.cmpf ogt, %add3A_191, %gt3A_192 : vector<256x96xf32>
    %convert_element_type3A_194 = arith.extui %gt3A_193 : vector<256x96xi1> to vector<256x96xi32>
    %convert_element_type3A_195 = arith.sitofp %convert_element_type3A_194 : vector<256x96xi32> to vector<256x96xf32>
    %convert_element_type3A_196 = arith.truncf %convert_element_type3A_195 : vector<256x96xf32> to vector<256x96xbf16>
    %dot_general3A_197 = arith.constant dense<0.000000e+00> : vector<16x256xf32>
    %dot_general3A_198 = tpu.matmul %convert_element_type3A_78, %convert_element_type3A_196, %dot_general3A_197 {dimension_numbers = #tpu.dot_dimension_numbers<[1], [1], [0], [0], [0, 0, 1, 0], [], []>, transpose_lhs_hint = false} : vector<16x96xbf16>, vector<256x96xbf16>, vector<16x256xf32> -> vector<16x256xf32>
    %convert_element_type3A_199 = arith.fptosi %dot_general3A_198 : vector<16x256xf32> to vector<16x256xi32>
    %add3A_200 = arith.addi %convert_element_type3A_199, %mul3A_104 : vector<16x256xi32>
    %lt3A_201 = arith.constant 8 : i32
    %lt3A_202 = vector.broadcast %lt3A_201 : i32 to vector<16x256xi32>
    %lt3A_203 = arith.cmpi slt, %iota3A_79, %lt3A_202 : vector<16x256xi32>
    %broadcast_in_dim3A_204 = vector.broadcast %add3A_182 : i32 to vector<16x256xi32>
    %broadcast_in_dim3A_205 = vector.broadcast %add3A_180 : i32 to vector<16x256xi32>
    %select_n3A_206 = arith.select %lt3A_203, %broadcast_in_dim3A_204, %broadcast_in_dim3A_205 : vector<16x256xi1>, vector<16x256xi32>
    %ge3A_207 = arith.constant 1 : i32
    %ge3A_208 = vector.broadcast %ge3A_207 : i32 to vector<16x256xi32>
    %ge3A_209 = arith.cmpi sge, %iota3A_80, %ge3A_208 : vector<16x256xi32>
    %le3A_210 = arith.cmpi sle, %iota3A_80, %select_n3A_206 : vector<16x256xi32>
    %and3A_211 = arith.andi %ge3A_209, %le3A_210 : vector<16x256xi1>
    %jit3A_212 = arith.constant 512 : i32
    %broadcast_in_dim3A_213 = vector.broadcast %jit3A_212 : i32 to vector<16x256xi32>
    %select_n3A_214 = arith.select %and3A_211, %add3A_200, %broadcast_in_dim3A_213 : vector<16x256xi1>, vector<16x256xi32>
    %add3A_215 = arith.addi %select_n3A_214, %mul3A_129 : vector<16x256xi32>
    %slice3A_216 = vector.extract_strided_slice %add3A_215 {offsets = [8, 0], sizes = [8, 256], strides = [1, 1]} : vector<16x256xi32> to vector<8x256xi32>
    %swap3A_217 = arith.constant 2 : index
    %swap3A_218 = arith.constant 0 : index
    %swap3A_219 = arith.constant 0 : index
    %swap3A_220 = vector.load %arg6[%swap3A_217, %swap3A_218, %swap3A_219] : memref<16x8x256xi32, #tpu.memory_space<vmem>>, vector<1x8x256xi32>
    %swap3A_221 = vector.shape_cast %swap3A_220 : vector<1x8x256xi32> to vector<8x256xi32>
    %swap3A_222 = vector.shape_cast %slice3A_216 : vector<8x256xi32> to vector<1x8x256xi32>
    tpu.vector_store %arg6[%swap3A_217, %swap3A_218, %swap3A_219], %swap3A_222 {strides = array<i32>} : memref<16x8x256xi32, #tpu.memory_space<vmem>>, vector<1x8x256xi32>,
    %slice3A_223 = vector.extract_strided_slice %add3A_215 {offsets = [0, 0], sizes = [8, 256], strides = [1, 1]} : vector<16x256xi32> to vector<8x256xi32>
    %swap3A_224 = arith.constant 3 : index
    %swap3A_225 = arith.constant 0 : index
    %swap3A_226 = arith.constant 0 : index
    %swap3A_227 = vector.load %arg6[%swap3A_224, %swap3A_225, %swap3A_226] : memref<16x8x256xi32, #tpu.memory_space<vmem>>, vector<1x8x256xi32>
    %swap3A_228 = vector.shape_cast %swap3A_227 : vector<1x8x256xi32> to vector<8x256xi32>
    %swap3A_229 = vector.shape_cast %slice3A_223 : vector<8x256xi32> to vector<1x8x256xi32>
    tpu.vector_store %arg6[%swap3A_224, %swap3A_225, %swap3A_226], %swap3A_229 {strides = array<i32>} : memref<16x8x256xi32, #tpu.memory_space<vmem>>, vector<1x8x256xi32>,
    %mul3A_230 = arith.constant 16 : i32
    %mul3A_231 = arith.muli %arg1, %mul3A_230 : i32
    %add3A_232 = arith.constant 4 : i32
    %add3A_233 = arith.addi %mul3A_231, %add3A_232 : i32
    %add3A_234 = arith.constant 1 : i32
    %add3A_235 = arith.addi %add3A_233, %add3A_234 : i32
    %sub3A_236 = arith.constant 254 : i32
    %sub3A_237 = arith.subi %sub3A_236, %add3A_233 : i32
    %get3A_238 = arith.index_cast %sub3A_237 : i32 to index
    %get3A_239 = arith.constant 0 : index
    %get3A_240 = vector.load %arg7[%get3A_238, %get3A_239] : memref<512x96xf32, #tpu.memory_space<vmem>>, vector<256x96xf32>
    %slice3A_241 = vector.extract_strided_slice %dot_general3A_22 {offsets = [5, 0], sizes = [1, 48], strides = [1, 1]} : vector<16x48xf32> to vector<1x48xf32>
    %slice3A_242 = vector.extract_strided_slice %dot_general3A_22 {offsets = [4, 0], sizes = [1, 48], strides = [1, 1]} : vector<16x48xf32> to vector<1x48xf32>
    %concatenate3A_243 = tpu.concatenate %slice3A_241, %slice3A_242 in 1 : vector<1x48xf32>, vector<1x48xf32> -> vector<1x96xf32>
    %add3A_244 = arith.addf %get3A_240, %get3A_25 : vector<256x96xf32>
    %gt3A_245 = vector.broadcast %concatenate3A_243 : vector<1x96xf32> to vector<256x96xf32>
    %gt3A_246 = arith.cmpf ogt, %add3A_244, %gt3A_245 : vector<256x96xf32>
    %convert_element_type3A_247 = arith.extui %gt3A_246 : vector<256x96xi1> to vector<256x96xi32>
    %convert_element_type3A_248 = arith.sitofp %convert_element_type3A_247 : vector<256x96xi32> to vector<256x96xf32>
    %convert_element_type3A_249 = arith.truncf %convert_element_type3A_248 : vector<256x96xf32> to vector<256x96xbf16>
    %dot_general3A_250 = arith.constant dense<0.000000e+00> : vector<16x256xf32>
    %dot_general3A_251 = tpu.matmul %convert_element_type3A_78, %convert_element_type3A_249, %dot_general3A_250 {dimension_numbers = #tpu.dot_dimension_numbers<[1], [1], [0], [0], [0, 0, 1, 0], [], []>, transpose_lhs_hint = false} : vector<16x96xbf16>, vector<256x96xbf16>, vector<16x256xf32> -> vector<16x256xf32>
    %convert_element_type3A_252 = arith.fptosi %dot_general3A_251 : vector<16x256xf32> to vector<16x256xi32>
    %add3A_253 = arith.addi %convert_element_type3A_252, %mul3A_104 : vector<16x256xi32>
    %lt3A_254 = arith.constant 8 : i32
    %lt3A_255 = vector.broadcast %lt3A_254 : i32 to vector<16x256xi32>
    %lt3A_256 = arith.cmpi slt, %iota3A_79, %lt3A_255 : vector<16x256xi32>
    %broadcast_in_dim3A_257 = vector.broadcast %add3A_235 : i32 to vector<16x256xi32>
    %broadcast_in_dim3A_258 = vector.broadcast %add3A_233 : i32 to vector<16x256xi32>
    %select_n3A_259 = arith.select %lt3A_256, %broadcast_in_dim3A_257, %broadcast_in_dim3A_258 : vector<16x256xi1>, vector<16x256xi32>
    %ge3A_260 = arith.constant 1 : i32
    %ge3A_261 = vector.broadcast %ge3A_260 : i32 to vector<16x256xi32>
    %ge3A_262 = arith.cmpi sge, %iota3A_80, %ge3A_261 : vector<16x256xi32>
    %le3A_263 = arith.cmpi sle, %iota3A_80, %select_n3A_259 : vector<16x256xi32>
    %and3A_264 = arith.andi %ge3A_262, %le3A_263 : vector<16x256xi1>
    %jit3A_265 = arith.constant 512 : i32
    %broadcast_in_dim3A_266 = vector.broadcast %jit3A_265 : i32 to vector<16x256xi32>
    %select_n3A_267 = arith.select %and3A_264, %add3A_253, %broadcast_in_dim3A_266 : vector<16x256xi1>, vector<16x256xi32>
    %add3A_268 = arith.addi %select_n3A_267, %mul3A_129 : vector<16x256xi32>
    %slice3A_269 = vector.extract_strided_slice %add3A_268 {offsets = [8, 0], sizes = [8, 256], strides = [1, 1]} : vector<16x256xi32> to vector<8x256xi32>
    %swap3A_270 = arith.constant 4 : index
    %swap3A_271 = arith.constant 0 : index
    %swap3A_272 = arith.constant 0 : index
    %swap3A_273 = vector.load %arg6[%swap3A_270, %swap3A_271, %swap3A_272] : memref<16x8x256xi32, #tpu.memory_space<vmem>>, vector<1x8x256xi32>
    %swap3A_274 = vector.shape_cast %swap3A_273 : vector<1x8x256xi32> to vector<8x256xi32>
    %swap3A_275 = vector.shape_cast %slice3A_269 : vector<8x256xi32> to vector<1x8x256xi32>
    tpu.vector_store %arg6[%swap3A_270, %swap3A_271, %swap3A_272], %swap3A_275 {strides = array<i32>} : memref<16x8x256xi32, #tpu.memory_space<vmem>>, vector<1x8x256xi32>,
    %slice3A_276 = vector.extract_strided_slice %add3A_268 {offsets = [0, 0], sizes = [8, 256], strides = [1, 1]} : vector<16x256xi32> to vector<8x256xi32>
    %swap3A_277 = arith.constant 5 : index
    %swap3A_278 = arith.constant 0 : index
    %swap3A_279 = arith.constant 0 : index
    %swap3A_280 = vector.load %arg6[%swap3A_277, %swap3A_278, %swap3A_279] : memref<16x8x256xi32, #tpu.memory_space<vmem>>, vector<1x8x256xi32>
    %swap3A_281 = vector.shape_cast %swap3A_280 : vector<1x8x256xi32> to vector<8x256xi32>
    %swap3A_282 = vector.shape_cast %slice3A_276 : vector<8x256xi32> to vector<1x8x256xi32>
    tpu.vector_store %arg6[%swap3A_277, %swap3A_278, %swap3A_279], %swap3A_282 {strides = array<i32>} : memref<16x8x256xi32, #tpu.memory_space<vmem>>, vector<1x8x256xi32>,
    %mul3A_283 = arith.constant 16 : i32
    %mul3A_284 = arith.muli %arg1, %mul3A_283 : i32
    %add3A_285 = arith.constant 6 : i32
    %add3A_286 = arith.addi %mul3A_284, %add3A_285 : i32
    %add3A_287 = arith.constant 1 : i32
    %add3A_288 = arith.addi %add3A_286, %add3A_287 : i32
    %sub3A_289 = arith.constant 254 : i32
    %sub3A_290 = arith.subi %sub3A_289, %add3A_286 : i32
    %get3A_291 = arith.index_cast %sub3A_290 : i32 to index
    %get3A_292 = arith.constant 0 : index
    %get3A_293 = vector.load %arg7[%get3A_291, %get3A_292] : memref<512x96xf32, #tpu.memory_space<vmem>>, vector<256x96xf32>
    %slice3A_294 = vector.extract_strided_slice %dot_general3A_22 {offsets = [7, 0], sizes = [1, 48], strides = [1, 1]} : vector<16x48xf32> to vector<1x48xf32>
    %slice3A_295 = vector.extract_strided_slice %dot_general3A_22 {offsets = [6, 0], sizes = [1, 48], strides = [1, 1]} : vector<16x48xf32> to vector<1x48xf32>
    %concatenate3A_296 = tpu.concatenate %slice3A_294, %slice3A_295 in 1 : vector<1x48xf32>, vector<1x48xf32> -> vector<1x96xf32>
    %add3A_297 = arith.addf %get3A_293, %get3A_25 : vector<256x96xf32>
    %gt3A_298 = vector.broadcast %concatenate3A_296 : vector<1x96xf32> to vector<256x96xf32>
    %gt3A_299 = arith.cmpf ogt, %add3A_297, %gt3A_298 : vector<256x96xf32>
    %convert_element_type3A_300 = arith.extui %gt3A_299 : vector<256x96xi1> to vector<256x96xi32>
    %convert_element_type3A_301 = arith.sitofp %convert_element_type3A_300 : vector<256x96xi32> to vector<256x96xf32>
    %convert_element_type3A_302 = arith.truncf %convert_element_type3A_301 : vector<256x96xf32> to vector<256x96xbf16>
    %dot_general3A_303 = arith.constant dense<0.000000e+00> : vector<16x256xf32>
    %dot_general3A_304 = tpu.matmul %convert_element_type3A_78, %convert_element_type3A_302, %dot_general3A_303 {dimension_numbers = #tpu.dot_dimension_numbers<[1], [1], [0], [0], [0, 0, 1, 0], [], []>, transpose_lhs_hint = false} : vector<16x96xbf16>, vector<256x96xbf16>, vector<16x256xf32> -> vector<16x256xf32>
    %convert_element_type3A_305 = arith.fptosi %dot_general3A_304 : vector<16x256xf32> to vector<16x256xi32>
    %add3A_306 = arith.addi %convert_element_type3A_305, %mul3A_104 : vector<16x256xi32>
    %lt3A_307 = arith.constant 8 : i32
    %lt3A_308 = vector.broadcast %lt3A_307 : i32 to vector<16x256xi32>
    %lt3A_309 = arith.cmpi slt, %iota3A_79, %lt3A_308 : vector<16x256xi32>
    %broadcast_in_dim3A_310 = vector.broadcast %add3A_288 : i32 to vector<16x256xi32>
    %broadcast_in_dim3A_311 = vector.broadcast %add3A_286 : i32 to vector<16x256xi32>
    %select_n3A_312 = arith.select %lt3A_309, %broadcast_in_dim3A_310, %broadcast_in_dim3A_311 : vector<16x256xi1>, vector<16x256xi32>
    %ge3A_313 = arith.constant 1 : i32
    %ge3A_314 = vector.broadcast %ge3A_313 : i32 to vector<16x256xi32>
    %ge3A_315 = arith.cmpi sge, %iota3A_80, %ge3A_314 : vector<16x256xi32>
    %le3A_316 = arith.cmpi sle, %iota3A_80, %select_n3A_312 : vector<16x256xi32>
    %and3A_317 = arith.andi %ge3A_315, %le3A_316 : vector<16x256xi1>
    %jit3A_318 = arith.constant 512 : i32
    %broadcast_in_dim3A_319 = vector.broadcast %jit3A_318 : i32 to vector<16x256xi32>
    %select_n3A_320 = arith.select %and3A_317, %add3A_306, %broadcast_in_dim3A_319 : vector<16x256xi1>, vector<16x256xi32>
    %add3A_321 = arith.addi %select_n3A_320, %mul3A_129 : vector<16x256xi32>
    %slice3A_322 = vector.extract_strided_slice %add3A_321 {offsets = [8, 0], sizes = [8, 256], strides = [1, 1]} : vector<16x256xi32> to vector<8x256xi32>
    %swap3A_323 = arith.constant 6 : index
    %swap3A_324 = arith.constant 0 : index
    %swap3A_325 = arith.constant 0 : index
    %swap3A_326 = vector.load %arg6[%swap3A_323, %swap3A_324, %swap3A_325] : memref<16x8x256xi32, #tpu.memory_space<vmem>>, vector<1x8x256xi32>
    %swap3A_327 = vector.shape_cast %swap3A_326 : vector<1x8x256xi32> to vector<8x256xi32>
    %swap3A_328 = vector.shape_cast %slice3A_322 : vector<8x256xi32> to vector<1x8x256xi32>
    tpu.vector_store %arg6[%swap3A_323, %swap3A_324, %swap3A_325], %swap3A_328 {strides = array<i32>} : memref<16x8x256xi32, #tpu.memory_space<vmem>>, vector<1x8x256xi32>,
    %slice3A_329 = vector.extract_strided_slice %add3A_321 {offsets = [0, 0], sizes = [8, 256], strides = [1, 1]} : vector<16x256xi32> to vector<8x256xi32>
    %swap3A_330 = arith.constant 7 : index
    %swap3A_331 = arith.constant 0 : index
    %swap3A_332 = arith.constant 0 : index
    %swap3A_333 = vector.load %arg6[%swap3A_330, %swap3A_331, %swap3A_332] : memref<16x8x256xi32, #tpu.memory_space<vmem>>, vector<1x8x256xi32>
    %swap3A_334 = vector.shape_cast %swap3A_333 : vector<1x8x256xi32> to vector<8x256xi32>
    %swap3A_335 = vector.shape_cast %slice3A_329 : vector<8x256xi32> to vector<1x8x256xi32>
    tpu.vector_store %arg6[%swap3A_330, %swap3A_331, %swap3A_332], %swap3A_335 {strides = array<i32>} : memref<16x8x256xi32, #tpu.memory_space<vmem>>, vector<1x8x256xi32>,
    %mul3A_336 = arith.constant 16 : i32
    %mul3A_337 = arith.muli %arg1, %mul3A_336 : i32
    %add3A_338 = arith.constant 8 : i32
    %add3A_339 = arith.addi %mul3A_337, %add3A_338 : i32
    %add3A_340 = arith.constant 1 : i32
    %add3A_341 = arith.addi %add3A_339, %add3A_340 : i32
    %sub3A_342 = arith.constant 254 : i32
    %sub3A_343 = arith.subi %sub3A_342, %add3A_339 : i32
    %get3A_344 = arith.index_cast %sub3A_343 : i32 to index
    %get3A_345 = arith.constant 0 : index
    %get3A_346 = vector.load %arg7[%get3A_344, %get3A_345] : memref<512x96xf32, #tpu.memory_space<vmem>>, vector<256x96xf32>
    %slice3A_347 = vector.extract_strided_slice %dot_general3A_22 {offsets = [9, 0], sizes = [1, 48], strides = [1, 1]} : vector<16x48xf32> to vector<1x48xf32>
    %slice3A_348 = vector.extract_strided_slice %dot_general3A_22 {offsets = [8, 0], sizes = [1, 48], strides = [1, 1]} : vector<16x48xf32> to vector<1x48xf32>
    %concatenate3A_349 = tpu.concatenate %slice3A_347, %slice3A_348 in 1 : vector<1x48xf32>, vector<1x48xf32> -> vector<1x96xf32>
    %add3A_350 = arith.addf %get3A_346, %get3A_25 : vector<256x96xf32>
    %gt3A_351 = vector.broadcast %concatenate3A_349 : vector<1x96xf32> to vector<256x96xf32>
    %gt3A_352 = arith.cmpf ogt, %add3A_350, %gt3A_351 : vector<256x96xf32>
    %convert_element_type3A_353 = arith.extui %gt3A_352 : vector<256x96xi1> to vector<256x96xi32>
    %convert_element_type3A_354 = arith.sitofp %convert_element_type3A_353 : vector<256x96xi32> to vector<256x96xf32>
    %convert_element_type3A_355 = arith.truncf %convert_element_type3A_354 : vector<256x96xf32> to vector<256x96xbf16>
    %dot_general3A_356 = arith.constant dense<0.000000e+00> : vector<16x256xf32>
    %dot_general3A_357 = tpu.matmul %convert_element_type3A_78, %convert_element_type3A_355, %dot_general3A_356 {dimension_numbers = #tpu.dot_dimension_numbers<[1], [1], [0], [0], [0, 0, 1, 0], [], []>, transpose_lhs_hint = false} : vector<16x96xbf16>, vector<256x96xbf16>, vector<16x256xf32> -> vector<16x256xf32>
    %convert_element_type3A_358 = arith.fptosi %dot_general3A_357 : vector<16x256xf32> to vector<16x256xi32>
    %add3A_359 = arith.addi %convert_element_type3A_358, %mul3A_104 : vector<16x256xi32>
    %lt3A_360 = arith.constant 8 : i32
    %lt3A_361 = vector.broadcast %lt3A_360 : i32 to vector<16x256xi32>
    %lt3A_362 = arith.cmpi slt, %iota3A_79, %lt3A_361 : vector<16x256xi32>
    %broadcast_in_dim3A_363 = vector.broadcast %add3A_341 : i32 to vector<16x256xi32>
    %broadcast_in_dim3A_364 = vector.broadcast %add3A_339 : i32 to vector<16x256xi32>
    %select_n3A_365 = arith.select %lt3A_362, %broadcast_in_dim3A_363, %broadcast_in_dim3A_364 : vector<16x256xi1>, vector<16x256xi32>
    %ge3A_366 = arith.constant 1 : i32
    %ge3A_367 = vector.broadcast %ge3A_366 : i32 to vector<16x256xi32>
    %ge3A_368 = arith.cmpi sge, %iota3A_80, %ge3A_367 : vector<16x256xi32>
    %le3A_369 = arith.cmpi sle, %iota3A_80, %select_n3A_365 : vector<16x256xi32>
    %and3A_370 = arith.andi %ge3A_368, %le3A_369 : vector<16x256xi1>
    %jit3A_371 = arith.constant 512 : i32
    %broadcast_in_dim3A_372 = vector.broadcast %jit3A_371 : i32 to vector<16x256xi32>
    %select_n3A_373 = arith.select %and3A_370, %add3A_359, %broadcast_in_dim3A_372 : vector<16x256xi1>, vector<16x256xi32>
    %add3A_374 = arith.addi %select_n3A_373, %mul3A_129 : vector<16x256xi32>
    %slice3A_375 = vector.extract_strided_slice %add3A_374 {offsets = [8, 0], sizes = [8, 256], strides = [1, 1]} : vector<16x256xi32> to vector<8x256xi32>
    %swap3A_376 = arith.constant 8 : index
    %swap3A_377 = arith.constant 0 : index
    %swap3A_378 = arith.constant 0 : index
    %swap3A_379 = vector.load %arg6[%swap3A_376, %swap3A_377, %swap3A_378] : memref<16x8x256xi32, #tpu.memory_space<vmem>>, vector<1x8x256xi32>
    %swap3A_380 = vector.shape_cast %swap3A_379 : vector<1x8x256xi32> to vector<8x256xi32>
    %swap3A_381 = vector.shape_cast %slice3A_375 : vector<8x256xi32> to vector<1x8x256xi32>
    tpu.vector_store %arg6[%swap3A_376, %swap3A_377, %swap3A_378], %swap3A_381 {strides = array<i32>} : memref<16x8x256xi32, #tpu.memory_space<vmem>>, vector<1x8x256xi32>,
    %slice3A_382 = vector.extract_strided_slice %add3A_374 {offsets = [0, 0], sizes = [8, 256], strides = [1, 1]} : vector<16x256xi32> to vector<8x256xi32>
    %swap3A_383 = arith.constant 9 : index
    %swap3A_384 = arith.constant 0 : index
    %swap3A_385 = arith.constant 0 : index
    %swap3A_386 = vector.load %arg6[%swap3A_383, %swap3A_384, %swap3A_385] : memref<16x8x256xi32, #tpu.memory_space<vmem>>, vector<1x8x256xi32>
    %swap3A_387 = vector.shape_cast %swap3A_386 : vector<1x8x256xi32> to vector<8x256xi32>
    %swap3A_388 = vector.shape_cast %slice3A_382 : vector<8x256xi32> to vector<1x8x256xi32>
    tpu.vector_store %arg6[%swap3A_383, %swap3A_384, %swap3A_385], %swap3A_388 {strides = array<i32>} : memref<16x8x256xi32, #tpu.memory_space<vmem>>, vector<1x8x256xi32>,
    %mul3A_389 = arith.constant 16 : i32
    %mul3A_390 = arith.muli %arg1, %mul3A_389 : i32
    %add3A_391 = arith.constant 10 : i32
    %add3A_392 = arith.addi %mul3A_390, %add3A_391 : i32
    %add3A_393 = arith.constant 1 : i32
    %add3A_394 = arith.addi %add3A_392, %add3A_393 : i32
    %sub3A_395 = arith.constant 254 : i32
    %sub3A_396 = arith.subi %sub3A_395, %add3A_392 : i32
    %get3A_397 = arith.index_cast %sub3A_396 : i32 to index
    %get3A_398 = arith.constant 0 : index
    %get3A_399 = vector.load %arg7[%get3A_397, %get3A_398] : memref<512x96xf32, #tpu.memory_space<vmem>>, vector<256x96xf32>
    %slice3A_400 = vector.extract_strided_slice %dot_general3A_22 {offsets = [11, 0], sizes = [1, 48], strides = [1, 1]} : vector<16x48xf32> to vector<1x48xf32>
    %slice3A_401 = vector.extract_strided_slice %dot_general3A_22 {offsets = [10, 0], sizes = [1, 48], strides = [1, 1]} : vector<16x48xf32> to vector<1x48xf32>
    %concatenate3A_402 = tpu.concatenate %slice3A_400, %slice3A_401 in 1 : vector<1x48xf32>, vector<1x48xf32> -> vector<1x96xf32>
    %add3A_403 = arith.addf %get3A_399, %get3A_25 : vector<256x96xf32>
    %gt3A_404 = vector.broadcast %concatenate3A_402 : vector<1x96xf32> to vector<256x96xf32>
    %gt3A_405 = arith.cmpf ogt, %add3A_403, %gt3A_404 : vector<256x96xf32>
    %convert_element_type3A_406 = arith.extui %gt3A_405 : vector<256x96xi1> to vector<256x96xi32>
    %convert_element_type3A_407 = arith.sitofp %convert_element_type3A_406 : vector<256x96xi32> to vector<256x96xf32>
    %convert_element_type3A_408 = arith.truncf %convert_element_type3A_407 : vector<256x96xf32> to vector<256x96xbf16>
    %dot_general3A_409 = arith.constant dense<0.000000e+00> : vector<16x256xf32>
    %dot_general3A_410 = tpu.matmul %convert_element_type3A_78, %convert_element_type3A_408, %dot_general3A_409 {dimension_numbers = #tpu.dot_dimension_numbers<[1], [1], [0], [0], [0, 0, 1, 0], [], []>, transpose_lhs_hint = false} : vector<16x96xbf16>, vector<256x96xbf16>, vector<16x256xf32> -> vector<16x256xf32>
    %convert_element_type3A_411 = arith.fptosi %dot_general3A_410 : vector<16x256xf32> to vector<16x256xi32>
    %add3A_412 = arith.addi %convert_element_type3A_411, %mul3A_104 : vector<16x256xi32>
    %lt3A_413 = arith.constant 8 : i32
    %lt3A_414 = vector.broadcast %lt3A_413 : i32 to vector<16x256xi32>
    %lt3A_415 = arith.cmpi slt, %iota3A_79, %lt3A_414 : vector<16x256xi32>
    %broadcast_in_dim3A_416 = vector.broadcast %add3A_394 : i32 to vector<16x256xi32>
    %broadcast_in_dim3A_417 = vector.broadcast %add3A_392 : i32 to vector<16x256xi32>
    %select_n3A_418 = arith.select %lt3A_415, %broadcast_in_dim3A_416, %broadcast_in_dim3A_417 : vector<16x256xi1>, vector<16x256xi32>
    %ge3A_419 = arith.constant 1 : i32
    %ge3A_420 = vector.broadcast %ge3A_419 : i32 to vector<16x256xi32>
    %ge3A_421 = arith.cmpi sge, %iota3A_80, %ge3A_420 : vector<16x256xi32>
    %le3A_422 = arith.cmpi sle, %iota3A_80, %select_n3A_418 : vector<16x256xi32>
    %and3A_423 = arith.andi %ge3A_421, %le3A_422 : vector<16x256xi1>
    %jit3A_424 = arith.constant 512 : i32
    %broadcast_in_dim3A_425 = vector.broadcast %jit3A_424 : i32 to vector<16x256xi32>
    %select_n3A_426 = arith.select %and3A_423, %add3A_412, %broadcast_in_dim3A_425 : vector<16x256xi1>, vector<16x256xi32>
    %add3A_427 = arith.addi %select_n3A_426, %mul3A_129 : vector<16x256xi32>
    %slice3A_428 = vector.extract_strided_slice %add3A_427 {offsets = [8, 0], sizes = [8, 256], strides = [1, 1]} : vector<16x256xi32> to vector<8x256xi32>
    %swap3A_429 = arith.constant 10 : index
    %swap3A_430 = arith.constant 0 : index
    %swap3A_431 = arith.constant 0 : index
    %swap3A_432 = vector.load %arg6[%swap3A_429, %swap3A_430, %swap3A_431] : memref<16x8x256xi32, #tpu.memory_space<vmem>>, vector<1x8x256xi32>
    %swap3A_433 = vector.shape_cast %swap3A_432 : vector<1x8x256xi32> to vector<8x256xi32>
    %swap3A_434 = vector.shape_cast %slice3A_428 : vector<8x256xi32> to vector<1x8x256xi32>
    tpu.vector_store %arg6[%swap3A_429, %swap3A_430, %swap3A_431], %swap3A_434 {strides = array<i32>} : memref<16x8x256xi32, #tpu.memory_space<vmem>>, vector<1x8x256xi32>,
    %slice3A_435 = vector.extract_strided_slice %add3A_427 {offsets = [0, 0], sizes = [8, 256], strides = [1, 1]} : vector<16x256xi32> to vector<8x256xi32>
    %swap3A_436 = arith.constant 11 : index
    %swap3A_437 = arith.constant 0 : index
    %swap3A_438 = arith.constant 0 : index
    %swap3A_439 = vector.load %arg6[%swap3A_436, %swap3A_437, %swap3A_438] : memref<16x8x256xi32, #tpu.memory_space<vmem>>, vector<1x8x256xi32>
    %swap3A_440 = vector.shape_cast %swap3A_439 : vector<1x8x256xi32> to vector<8x256xi32>
    %swap3A_441 = vector.shape_cast %slice3A_435 : vector<8x256xi32> to vector<1x8x256xi32>
    tpu.vector_store %arg6[%swap3A_436, %swap3A_437, %swap3A_438], %swap3A_441 {strides = array<i32>} : memref<16x8x256xi32, #tpu.memory_space<vmem>>, vector<1x8x256xi32>,
    %mul3A_442 = arith.constant 16 : i32
    %mul3A_443 = arith.muli %arg1, %mul3A_442 : i32
    %add3A_444 = arith.constant 12 : i32
    %add3A_445 = arith.addi %mul3A_443, %add3A_444 : i32
    %add3A_446 = arith.constant 1 : i32
    %add3A_447 = arith.addi %add3A_445, %add3A_446 : i32
    %sub3A_448 = arith.constant 254 : i32
    %sub3A_449 = arith.subi %sub3A_448, %add3A_445 : i32
    %get3A_450 = arith.index_cast %sub3A_449 : i32 to index
    %get3A_451 = arith.constant 0 : index
    %get3A_452 = vector.load %arg7[%get3A_450, %get3A_451] : memref<512x96xf32, #tpu.memory_space<vmem>>, vector<256x96xf32>
    %slice3A_453 = vector.extract_strided_slice %dot_general3A_22 {offsets = [13, 0], sizes = [1, 48], strides = [1, 1]} : vector<16x48xf32> to vector<1x48xf32>
    %slice3A_454 = vector.extract_strided_slice %dot_general3A_22 {offsets = [12, 0], sizes = [1, 48], strides = [1, 1]} : vector<16x48xf32> to vector<1x48xf32>
    %concatenate3A_455 = tpu.concatenate %slice3A_453, %slice3A_454 in 1 : vector<1x48xf32>, vector<1x48xf32> -> vector<1x96xf32>
    %add3A_456 = arith.addf %get3A_452, %get3A_25 : vector<256x96xf32>
    %gt3A_457 = vector.broadcast %concatenate3A_455 : vector<1x96xf32> to vector<256x96xf32>
    %gt3A_458 = arith.cmpf ogt, %add3A_456, %gt3A_457 : vector<256x96xf32>
    %convert_element_type3A_459 = arith.extui %gt3A_458 : vector<256x96xi1> to vector<256x96xi32>
    %convert_element_type3A_460 = arith.sitofp %convert_element_type3A_459 : vector<256x96xi32> to vector<256x96xf32>
    %convert_element_type3A_461 = arith.truncf %convert_element_type3A_460 : vector<256x96xf32> to vector<256x96xbf16>
    %dot_general3A_462 = arith.constant dense<0.000000e+00> : vector<16x256xf32>
    %dot_general3A_463 = tpu.matmul %convert_element_type3A_78, %convert_element_type3A_461, %dot_general3A_462 {dimension_numbers = #tpu.dot_dimension_numbers<[1], [1], [0], [0], [0, 0, 1, 0], [], []>, transpose_lhs_hint = false} : vector<16x96xbf16>, vector<256x96xbf16>, vector<16x256xf32> -> vector<16x256xf32>
    %convert_element_type3A_464 = arith.fptosi %dot_general3A_463 : vector<16x256xf32> to vector<16x256xi32>
    %add3A_465 = arith.addi %convert_element_type3A_464, %mul3A_104 : vector<16x256xi32>
    %lt3A_466 = arith.constant 8 : i32
    %lt3A_467 = vector.broadcast %lt3A_466 : i32 to vector<16x256xi32>
    %lt3A_468 = arith.cmpi slt, %iota3A_79, %lt3A_467 : vector<16x256xi32>
    %broadcast_in_dim3A_469 = vector.broadcast %add3A_447 : i32 to vector<16x256xi32>
    %broadcast_in_dim3A_470 = vector.broadcast %add3A_445 : i32 to vector<16x256xi32>
    %select_n3A_471 = arith.select %lt3A_468, %broadcast_in_dim3A_469, %broadcast_in_dim3A_470 : vector<16x256xi1>, vector<16x256xi32>
    %ge3A_472 = arith.constant 1 : i32
    %ge3A_473 = vector.broadcast %ge3A_472 : i32 to vector<16x256xi32>
    %ge3A_474 = arith.cmpi sge, %iota3A_80, %ge3A_473 : vector<16x256xi32>
    %le3A_475 = arith.cmpi sle, %iota3A_80, %select_n3A_471 : vector<16x256xi32>
    %and3A_476 = arith.andi %ge3A_474, %le3A_475 : vector<16x256xi1>
    %jit3A_477 = arith.constant 512 : i32
    %broadcast_in_dim3A_478 = vector.broadcast %jit3A_477 : i32 to vector<16x256xi32>
    %select_n3A_479 = arith.select %and3A_476, %add3A_465, %broadcast_in_dim3A_478 : vector<16x256xi1>, vector<16x256xi32>
    %add3A_480 = arith.addi %select_n3A_479, %mul3A_129 : vector<16x256xi32>
    %slice3A_481 = vector.extract_strided_slice %add3A_480 {offsets = [8, 0], sizes = [8, 256], strides = [1, 1]} : vector<16x256xi32> to vector<8x256xi32>
    %swap3A_482 = arith.constant 12 : index
    %swap3A_483 = arith.constant 0 : index
    %swap3A_484 = arith.constant 0 : index
    %swap3A_485 = vector.load %arg6[%swap3A_482, %swap3A_483, %swap3A_484] : memref<16x8x256xi32, #tpu.memory_space<vmem>>, vector<1x8x256xi32>
    %swap3A_486 = vector.shape_cast %swap3A_485 : vector<1x8x256xi32> to vector<8x256xi32>
    %swap3A_487 = vector.shape_cast %slice3A_481 : vector<8x256xi32> to vector<1x8x256xi32>
    tpu.vector_store %arg6[%swap3A_482, %swap3A_483, %swap3A_484], %swap3A_487 {strides = array<i32>} : memref<16x8x256xi32, #tpu.memory_space<vmem>>, vector<1x8x256xi32>,
    %slice3A_488 = vector.extract_strided_slice %add3A_480 {offsets = [0, 0], sizes = [8, 256], strides = [1, 1]} : vector<16x256xi32> to vector<8x256xi32>
    %swap3A_489 = arith.constant 13 : index
    %swap3A_490 = arith.constant 0 : index
    %swap3A_491 = arith.constant 0 : index
    %swap3A_492 = vector.load %arg6[%swap3A_489, %swap3A_490, %swap3A_491] : memref<16x8x256xi32, #tpu.memory_space<vmem>>, vector<1x8x256xi32>
    %swap3A_493 = vector.shape_cast %swap3A_492 : vector<1x8x256xi32> to vector<8x256xi32>
    %swap3A_494 = vector.shape_cast %slice3A_488 : vector<8x256xi32> to vector<1x8x256xi32>
    tpu.vector_store %arg6[%swap3A_489, %swap3A_490, %swap3A_491], %swap3A_494 {strides = array<i32>} : memref<16x8x256xi32, #tpu.memory_space<vmem>>, vector<1x8x256xi32>,
    %mul3A_495 = arith.constant 16 : i32
    %mul3A_496 = arith.muli %arg1, %mul3A_495 : i32
    %add3A_497 = arith.constant 14 : i32
    %add3A_498 = arith.addi %mul3A_496, %add3A_497 : i32
    %add3A_499 = arith.constant 1 : i32
    %add3A_500 = arith.addi %add3A_498, %add3A_499 : i32
    %sub3A_501 = arith.constant 254 : i32
    %sub3A_502 = arith.subi %sub3A_501, %add3A_498 : i32
    %get3A_503 = arith.index_cast %sub3A_502 : i32 to index
    %get3A_504 = arith.constant 0 : index
    %get3A_505 = vector.load %arg7[%get3A_503, %get3A_504] : memref<512x96xf32, #tpu.memory_space<vmem>>, vector<256x96xf32>
    %slice3A_506 = vector.extract_strided_slice %dot_general3A_22 {offsets = [15, 0], sizes = [1, 48], strides = [1, 1]} : vector<16x48xf32> to vector<1x48xf32>
    %slice3A_507 = vector.extract_strided_slice %dot_general3A_22 {offsets = [14, 0], sizes = [1, 48], strides = [1, 1]} : vector<16x48xf32> to vector<1x48xf32>
    %concatenate3A_508 = tpu.concatenate %slice3A_506, %slice3A_507 in 1 : vector<1x48xf32>, vector<1x48xf32> -> vector<1x96xf32>
    %add3A_509 = arith.addf %get3A_505, %get3A_25 : vector<256x96xf32>
    %gt3A_510 = vector.broadcast %concatenate3A_508 : vector<1x96xf32> to vector<256x96xf32>
    %gt3A_511 = arith.cmpf ogt, %add3A_509, %gt3A_510 : vector<256x96xf32>
    %convert_element_type3A_512 = arith.extui %gt3A_511 : vector<256x96xi1> to vector<256x96xi32>
    %convert_element_type3A_513 = arith.sitofp %convert_element_type3A_512 : vector<256x96xi32> to vector<256x96xf32>
    %convert_element_type3A_514 = arith.truncf %convert_element_type3A_513 : vector<256x96xf32> to vector<256x96xbf16>
    %dot_general3A_515 = arith.constant dense<0.000000e+00> : vector<16x256xf32>
    %dot_general3A_516 = tpu.matmul %convert_element_type3A_78, %convert_element_type3A_514, %dot_general3A_515 {dimension_numbers = #tpu.dot_dimension_numbers<[1], [1], [0], [0], [0, 0, 1, 0], [], []>, transpose_lhs_hint = false} : vector<16x96xbf16>, vector<256x96xbf16>, vector<16x256xf32> -> vector<16x256xf32>
    %convert_element_type3A_517 = arith.fptosi %dot_general3A_516 : vector<16x256xf32> to vector<16x256xi32>
    %add3A_518 = arith.addi %convert_element_type3A_517, %mul3A_104 : vector<16x256xi32>
    %lt3A_519 = arith.constant 8 : i32
    %lt3A_520 = vector.broadcast %lt3A_519 : i32 to vector<16x256xi32>
    %lt3A_521 = arith.cmpi slt, %iota3A_79, %lt3A_520 : vector<16x256xi32>
    %broadcast_in_dim3A_522 = vector.broadcast %add3A_500 : i32 to vector<16x256xi32>
    %broadcast_in_dim3A_523 = vector.broadcast %add3A_498 : i32 to vector<16x256xi32>
    %select_n3A_524 = arith.select %lt3A_521, %broadcast_in_dim3A_522, %broadcast_in_dim3A_523 : vector<16x256xi1>, vector<16x256xi32>
    %ge3A_525 = arith.constant 1 : i32
    %ge3A_526 = vector.broadcast %ge3A_525 : i32 to vector<16x256xi32>
    %ge3A_527 = arith.cmpi sge, %iota3A_80, %ge3A_526 : vector<16x256xi32>
    %le3A_528 = arith.cmpi sle, %iota3A_80, %select_n3A_524 : vector<16x256xi32>
    %and3A_529 = arith.andi %ge3A_527, %le3A_528 : vector<16x256xi1>
    %jit3A_530 = arith.constant 512 : i32
    %broadcast_in_dim3A_531 = vector.broadcast %jit3A_530 : i32 to vector<16x256xi32>
    %select_n3A_532 = arith.select %and3A_529, %add3A_518, %broadcast_in_dim3A_531 : vector<16x256xi1>, vector<16x256xi32>
    %add3A_533 = arith.addi %select_n3A_532, %mul3A_129 : vector<16x256xi32>
    %slice3A_534 = vector.extract_strided_slice %add3A_533 {offsets = [8, 0], sizes = [8, 256], strides = [1, 1]} : vector<16x256xi32> to vector<8x256xi32>
    %swap3A_535 = arith.constant 14 : index
    %swap3A_536 = arith.constant 0 : index
    %swap3A_537 = arith.constant 0 : index
    %swap3A_538 = vector.load %arg6[%swap3A_535, %swap3A_536, %swap3A_537] : memref<16x8x256xi32, #tpu.memory_space<vmem>>, vector<1x8x256xi32>
    %swap3A_539 = vector.shape_cast %swap3A_538 : vector<1x8x256xi32> to vector<8x256xi32>
    %swap3A_540 = vector.shape_cast %slice3A_534 : vector<8x256xi32> to vector<1x8x256xi32>
    tpu.vector_store %arg6[%swap3A_535, %swap3A_536, %swap3A_537], %swap3A_540 {strides = array<i32>} : memref<16x8x256xi32, #tpu.memory_space<vmem>>, vector<1x8x256xi32>,
    %slice3A_541 = vector.extract_strided_slice %add3A_533 {offsets = [0, 0], sizes = [8, 256], strides = [1, 1]} : vector<16x256xi32> to vector<8x256xi32>
    %swap3A_542 = arith.constant 15 : index
    %swap3A_543 = arith.constant 0 : index
    %swap3A_544 = arith.constant 0 : index
    %swap3A_545 = vector.load %arg6[%swap3A_542, %swap3A_543, %swap3A_544] : memref<16x8x256xi32, #tpu.memory_space<vmem>>, vector<1x8x256xi32>
    %swap3A_546 = vector.shape_cast %swap3A_545 : vector<1x8x256xi32> to vector<8x256xi32>
    %swap3A_547 = vector.shape_cast %slice3A_541 : vector<8x256xi32> to vector<1x8x256xi32>
    tpu.vector_store %arg6[%swap3A_542, %swap3A_543, %swap3A_544], %swap3A_547 {strides = array<i32>} : memref<16x8x256xi32, #tpu.memory_space<vmem>>, vector<1x8x256xi32>,
    return
  }
  func.func @transform_0(%arg0: i32, %arg1: i32) -> (i32, i32, i32) {
    %c0_i32 = arith.constant 0 : i32
    %c0_i32_0 = arith.constant 0 : i32
    %c0_i32_1 = arith.constant 0 : i32
    return %arg0, %c0_i32, %c0_i32_0 : i32, i32, i32
  }
  func.func @transform_1(%arg0: i32, %arg1: i32) -> (i32, i32, i32) {
    %c0_i32 = arith.constant 0 : i32
    %c0_i32_0 = arith.constant 0 : i32
    return %arg0, %arg1, %c0_i32 : i32, i32, i32
  }
  func.func @transform_2(%arg0: i32, %arg1: i32) -> (i32, i32) {
    %c0_i32 = arith.constant 0 : i32
    %c0_i32_0 = arith.constant 0 : i32
    %c0_i32_1 = arith.constant 0 : i32
    return %c0_i32, %c0_i32_0 : i32, i32
  }
  func.func @transform_3(%arg0: i32, %arg1: i32) -> (i32, i32) {
    %c0_i32 = arith.constant 0 : i32
    %c0_i32_0 = arith.constant 0 : i32
    %c0_i32_1 = arith.constant 0 : i32
    return %c0_i32, %c0_i32_0 : i32, i32
  }
  func.func @transform_4(%arg0: i32, %arg1: i32) -> (i32, i32, i32) {
    %mul3A = arith.constant 16 : i32
    %mul3A_0 = arith.muli %arg0, %mul3A : i32
    %add3A = arith.addi %mul3A_0, %arg1 : i32
    %c0_i32 = arith.constant 0 : i32
    %c0_i32_1 = arith.constant 0 : i32
    %c0_i32_2 = arith.constant 0 : i32
    return %add3A, %c0_i32, %c0_i32_1 : i32, i32, i32
  }
}

module attributes {stable_mosaic.version = 14 : i64} {
  func.func @_mm_body(%arg0: i32, %arg1: memref<256x512xf32, #tpu.memory_space<vmem>>, %arg2: memref<512x64xf32, #tpu.memory_space<vmem>>, %arg3: memref<1x256x64xf32, #tpu.memory_space<vmem>>) attributes {dimension_semantics = [#tpu.dimension_semantics<arbitrary>], iteration_bounds = array<i64: 4>, scalar_prefetch = 0 : i64, scratch_operands = 0 : i64, tpu.core_type = #tpu.core_type<tc>, window_params = [{transform_indices = @transform_0, window_bounds = array<i64: 256, 512>}, {pipeline_mode = #tpu.pipeline_mode<synchronous>, transform_indices = @transform_1, window_bounds = array<i64: 512, 64>}, {transform_indices = @transform_2, window_bounds = array<i64: 1, 256, 64>}]} {
    %get3A = arith.constant 0 : index
    %get3A_0 = arith.constant 0 : index
    %get3A_1 = vector.load %arg1[%get3A, %get3A_0] : memref<256x512xf32, #tpu.memory_space<vmem>>, vector<256x512xf32>
    %get3A_2 = arith.constant 0 : index
    %get3A_3 = arith.constant 0 : index
    %get3A_4 = vector.load %arg2[%get3A_2, %get3A_3] : memref<512x64xf32, #tpu.memory_space<vmem>>, vector<512x64xf32>
    %dot_general3A = arith.constant dense<0.000000e+00> : vector<256x64xf32>
    %dot_general3A_5 = tpu.matmul %get3A_1, %get3A_4, %dot_general3A {dimension_numbers = #tpu.dot_dimension_numbers<[1], [0], [0], [1], [0, 0, 1, 1], [], []>, precision = #tpu.contract_precision<fp32>, transpose_lhs_hint = false} : vector<256x512xf32>, vector<512x64xf32>, vector<256x64xf32> -> vector<256x64xf32>
    %swap3A = arith.constant 0 : index
    %swap3A_6 = arith.constant 0 : index
    %swap3A_7 = arith.constant 0 : index
    %swap3A_8 = vector.load %arg3[%swap3A, %swap3A_6, %swap3A_7] : memref<1x256x64xf32, #tpu.memory_space<vmem>>, vector<1x256x64xf32>
    %swap3A_9 = vector.shape_cast %swap3A_8 : vector<1x256x64xf32> to vector<256x64xf32>
    %swap3A_10 = vector.shape_cast %dot_general3A_5 : vector<256x64xf32> to vector<1x256x64xf32>
    tpu.vector_store %arg3[%swap3A, %swap3A_6, %swap3A_7], %swap3A_10 {strides = array<i32>} : memref<1x256x64xf32, #tpu.memory_space<vmem>>, vector<1x256x64xf32>,
    return
  }
  func.func @transform_0(%arg0: i32) -> (i32, i32) {
    %c0_i32 = arith.constant 0 : i32
    %c0_i32_0 = arith.constant 0 : i32
    return %arg0, %c0_i32 : i32, i32
  }
  func.func @transform_1(%arg0: i32) -> (i32, i32) {
    %c0_i32 = arith.constant 0 : i32
    %c0_i32_0 = arith.constant 0 : i32
    %c0_i32_1 = arith.constant 0 : i32
    return %c0_i32, %c0_i32_0 : i32, i32
  }
  func.func @transform_2(%arg0: i32) -> (i32, i32, i32) {
    %c0_i32 = arith.constant 0 : i32
    %c0_i32_0 = arith.constant 0 : i32
    %c0_i32_1 = arith.constant 0 : i32
    return %arg0, %c0_i32, %c0_i32_0 : i32, i32, i32
  }
}

</mosaic_0001>

<sc_bundles>
// kernel: kernel.5.cloned.1.call-start
scs
__scs_entry_jumppad:
0x0: {  	(pc) =	sbr.rel $0x88, $3  }
0x1: {  	(tag) =	ssettag $0x0;
	lr =	simm.s32 $0x1  }
0x2: {  	[smem:$0x3F9C] =	sst lr;
	_ =	strace $0xD0000000  }
0x3: {  	_ = 	snop  }
0x4: {  	_ = 	snop  }
0x5: {  	_ = 	snop  }
0x6: {  	_ = 	snop  }
0x7: {  	_ = 	snop  }
__scs_overlays_trampoline_lowered:
0x8: {  	[smem:$0x3FAB] =	sst s0  }
0x9: {  	[smem:$0x3FAC] =	sst s1  }
0xa: {  	[smem:$0x3FAD] =	sst s2  }
0xb: {  	[smem:$0x3FAE] =	sst s3  }
0xc: {  	[smem:$0x3FAF] =	sst s4  }
0xd: {  	[smem:$0x3FB0] =	sst s5  }
0xe: {  	[smem:$0x3FB1] =	sst s6  }
0xf: {  	[smem:$0x3FB2] =	sst s7  }
0x10: {  	[smem:$0x3FB3] =	sst s8  }
0x11: {  	[smem:$0x3FB4] =	sst s9;
	s0 =	simm.s32 @!p0 $0x0  }
0x12: {  	s1 =	sld [smem:$0x3F9A];
	s0 =	simm.s32 @p0 $0x1  }
0x13: {  	[smem:$0x3FB5] =	sst s0;
	s0 =	simm.s32 @!p1 $0x0  }
0x14: {  	s2 =	sld [smem:$0x3F99];
	s0 =	simm.s32 @p1 $0x1  }
0x15: {  	[smem:$0x3FB6] =	sst s0;
	s0 =	simm.s32 @!p2 $0x0  }
0x16: {  	s3 =	sld [smem:$0x3FDB];
	s0 =	simm.s32 @p2 $0x1  }
0x17: {  	s4 =	simm.s32 $0x1BF5;
	[smem:$0x3FB8] =	sst s0  }
0x18: {  	s0 =	sld [smem:$0x3F9B];
	_ =	swait.ge [sflag:s4], $0x0  }
0x19: {  	s7 =	sld [smem:$0x3F9C]  }
0x1a: {  	s8 =	sadd.s32 $0xFFFFE003, lr  }
0x1b: {  	s9 =	sadd.s32 $0xFFFFFEF7, lr;
	s5 =	simm.s32 $0xFFFFFFFF;
	p2 =	slt.u32 s8, $0xFFFFF086  }
0x1c: {  	p1 =	slt.u32 s9, $0xF7A;
	s5 =	simm.s32 @!p2 $0x0  }
0x1d: {  	s5 =	simm.s32 @p1 $0x1;
	p0 =	seq.s32 s7, s2  }
0x1e: {  	s7 =	smul.u32 @!p0 $0xF7A, s2;
	p2 =	seq.s32 @!p0 s5, $0x0  }
0x1f: {  	s9 =	smul.u32 $0xF7A, s1;
	s8 =	simm.s32 @!p0 $0x1BF5;
	p2 =	por !p2, p0  }
0x20: {  	[sflag:s8] =	ssyncset.s32 @!p0 $0xFFFFF086;
	s6 =	sadd.s32 @!p0 s3, s7;
	s7 =	simm.s32 @!p0 $0x108  }
0x21: {  	s3 =	sadd.s32 s3, s9;
	s6 =	sadd.s32 @!p0 $0x88, s6;
	s7 =	simm.s32 @p2 $0x1082  }
0x22: {  	[simem:s7], [sflag:s8] =	dma.local @!p0 [hbm:s6], $0xF7A  }
0x23: {  	s9 =	sor.u32 $0xD0000000, s2;
	s6 =	simm.s32 $0x108;
	_ =	swait.ge @!p0 [sflag:s8], $0x0  }
0x24: {  	s3 =	sadd.s32 $0x88, s3;
	s6 =	simm.s32 @!p1 $0x1082;
	[sflag:s4] =	ssyncset.s32 $0xFFFFF086  }
0x25: {  	[simem:s6], [sflag:s4] =	dma.local [hbm:s3], $0xF7A  }
0x26: {  	[smem:$0x3F9C] =	sst s1;
	(tag) =	ssettag s2;
	_ =	strace s9  }
0x27: {  	s1 =	sld [smem:$0x3FAC]  }
0x28: {  	s2 =	sld [smem:$0x3FAD]  }
0x29: {  	s4 =	sld [smem:$0x3FAF]  }
0x2a: {  	p0 =	seq.s32 s5, $0x0;
	s5 =	sld [smem:$0x3FB0]  }
0x2b: {  	s6 =	sld [smem:$0x3FB1]  }
0x2c: {  	s7 =	sld [smem:$0x3FB2]  }
0x2d: {  	s3 =	simm.s32 $0x108;
	s8 =	sld [smem:$0x3FB3]  }
0x2e: {  	s3 =	simm.s32 @!p0 $0x1082;
	s9 =	sld [smem:$0x3FB4]  }
0x2f: {  	lr =	sadd.s32 s0, s3;
	s0 =	sld [smem:$0x3FAB]  }
0x30: {  	s3 =	sld [smem:$0x3FAE]  }
0x31: {  	[smem:$0x3FB7] =	sst s10  }
0x32: {  	s10 =	sld [smem:$0x3FB5];
	_ =	sdelay $0x3  }
0x33: {  	p0 =	seq.s32 s10, $0x1;
	s10 =	sld [smem:$0x3FB7];
	_ =	sdelay $0x3  }
0x34: {  	[smem:$0x3FB7] =	sst s10  }
0x35: {  	s10 =	sld [smem:$0x3FB6];
	_ =	sdelay $0x3  }
0x36: {  	p1 =	seq.s32 s10, $0x1;
	s10 =	sld [smem:$0x3FB7];
	_ =	sdelay $0x3  }
0x37: {  	[smem:$0x3FB7] =	sst s10  }
0x38: {  	s10 =	sld [smem:$0x3FB8]  }
0x39: {  	_ = 	snop;
	(pc) =	sbr.ind lr, $3  }
0x3a: {  	_ = 	snop  }
0x3b: {  	_ = 	snop  }
0x3c: {  	p2 =	seq.s32 s10, $0x1;
	s10 =	sld [smem:$0x3FB7]  }
0x3d: {  	_ =	shalt  }
0x3e: {  	_ =	shalt  }
0x3f: {  	_ =	shalt  }
0x40: {  	_ =	shalt  }
0x41: {  	_ =	shalt  }
0x42: {  	_ =	shalt  }
0x43: {  	_ =	shalt  }
0x44: {  	_ =	shalt  }
0x45: {  	_ =	shalt  }
0x46: {  	_ =	shalt  }
0x47: {  	_ =	shalt  }
0x48: {  	_ =	shalt  }
0x49: {  	_ =	shalt  }
0x4a: {  	_ =	shalt  }
0x4b: {  	_ =	shalt  }
0x4c: {  	_ =	shalt  }
0x4d: {  	_ =	shalt  }
0x4e: {  	_ =	shalt  }
0x4f: {  	_ =	shalt  }
0x50: {  	_ =	shalt  }
0x51: {  	_ =	shalt  }
0x52: {  	_ =	shalt  }
0x53: {  	_ =	shalt  }
0x54: {  	_ =	shalt  }
0x55: {  	_ =	shalt  }
0x56: {  	_ =	shalt  }
0x57: {  	_ =	shalt  }
0x58: {  	_ =	shalt  }
0x59: {  	_ =	shalt  }
0x5a: {  	_ =	shalt  }
0x5b: {  	_ =	shalt  }
0x5c: {  	_ =	shalt  }
0x5d: {  	_ =	shalt  }
0x5e: {  	_ =	shalt  }
0x5f: {  	_ =	shalt  }
0x60: {  	_ =	shalt  }
0x61: {  	_ =	shalt  }
0x62: {  	_ =	shalt  }
0x63: {  	_ =	shalt  }
0x64: {  	_ =	shalt  }
0x65: {  	_ =	shalt  }
0x66: {  	_ =	shalt  }
0x67: {  	_ =	shalt  }
0x68: {  	_ =	shalt  }
0x69: {  	_ =	shalt  }
0x6a: {  	_ =	shalt  }
0x6b: {  	_ =	shalt  }
0x6c: {  	_ =	shalt  }
0x6d: {  	_ =	shalt  }
0x6e: {  	_ =	shalt  }
0x6f: {  	_ =	shalt  }
0x70: {  	_ =	shalt  }
0x71: {  	_ =	shalt  }
0x72: {  	_ =	shalt  }
0x73: {  	_ =	shalt  }
0x74: {  	_ =	shalt  }
0x75: {  	_ =	shalt  }
0x76: {  	_ =	shalt  }
0x77: {  	_ =	shalt  }
0x78: {  	_ =	shalt  }
0x79: {  	_ =	shalt  }
0x7a: {  	_ =	shalt  }
0x7b: {  	_ =	shalt  }
0x7c: {  	_ =	shalt  }
0x7d: {  	_ =	shalt  }
0x7e: {  	_ =	shalt  }
0x7f: {  	_ =	shalt  }
0x80: {  	_ =	shalt  }
0x81: {  	_ =	shalt  }
0x82: {  	_ =	shalt  }
0x83: {  	_ =	shalt  }
0x84: {  	_ =	shalt  }
0x85: {  	_ =	shalt  }
0x86: {  	_ =	shalt  }
0x87: {  	_ =	shalt  }
.Lfunc_end0:
.L_simem_size_0:
called_computation_lowered:
.L_overlay_start_0:
0x88: {  	s2 =	sld [smem:$0x3FD9]  }
0x89: {  	s3 =	sld [smem:$0x3FFE];
	_ =	sdelay $0x1  }
0x8a: {  	s1 =	srdreg.scid  }
0x8b: {  	s0 =	sand.u32 $0x1, s1  }
0x8c: {  	s16 =	sshll.u32 s0, $0xA;
	s2 =	sadd.s32 s3, s2  }
0x8d: {  	s2 =	sadd.s32 s2, s16  }
0x8e: {  	[smem:$0x3FC3] =	sst s2  }
0x8f: {  	_ = 	snop  }
0x90: {  	(tm) =	ssettm $0x1  }
0x91: {  	s17 =	sld [smem:$0x3FFB];
	_ =	sdelay $0x3  }
0x92: {  	_ =	strace s17  }
0x93: {  	s2 =	sld [smem:$0x3FFC];
	_ =	sdelay $0x3  }
0x94: {  	_ =	strace s2  }
0x95: {  	s2 =	sld [smem:$0x3FFD];
	_ =	sdelay $0x3  }
0x96: {  	_ =	strace s2  }
0x97: {  	_ =	strace $0x8FFFFFFF  }
0x98: {  	s18 =	sld [smem:$0x3FDB];
	_ =	sdelay $0x1  }
0x99: {  	s19 =	simm.s32 $_scs_section_size  }
0x9a: {  	s4 =	simm.s32 $_size__tile_overlayer_lowered;
	s5 =	simm.s32 $_tile_overlayer_lowered  }
0x9b: {  	s22 =	simm.s32 $0x1BFF;
	s21 =	sshll.u32 s5, $0x1;
	s2 =	sadd.s32 s19, s18  }
0x9c: {  	s6 =	simm.s32 $0x0;
	s20 =	sshll.u32 s4, $0x1;
	s4 =	sadd.s32 s21, s2  }
0x9d: {  	[timem:s6], [sflag:s22] =	dma.local [hbm:s4], s20  }
0x9e: {  	_ =	swait.ge [sflag:s22], s20  }
0x9f: {  	s3 =	ssub.s32 $0x0, s20;
	[sflag:s22] =	ssyncset.done $0x0  }
0xa0: {  	[sflag:s22] =	ssyncadd.s32 s3;
	_ =	sdelay $0x1  }
0xa1: {  	s23 =	simm.s32 $0x1B8B  }
0xa2: {  	_ =	swait.ge [sflag:s23], $0x1  }
0xa3: {  	[sflag:s23] =	ssyncset.done $0x0  }
0xa4: {  	s25 =	simm.s32 $0x1B8E;
	s24 =	sld [smem:$0x3FFE];
	[sflag:s23] =	ssyncadd.s32 $0xFFFFFFFF  }
0xa5: {  	s26 =	simm.s32 $execute0_lowered;
	[smem:$0x3FD2] =	sst s25  }
0xa6: {  	s4 =	sshll.u32 s26, $0x1;
	_ =	strace $0x80000046;
	[dreg:$0x1] =	wrdreg $0xFFFFFFFF  }
0xa7: {  	s28 =	simm.s32 $_size_execute0_lowered;
	s2 =	sadd.s32 s2, s4;
	[dreg:$0x0] =	wrdreg $0x0  }
0xa8: {  	s4 =	sshll.u32 s28, $0x1;
	[dreg:$0x2] =	wrdreg s2  }
0xa9: {  	[dreg:$0x3] =	wrdreg s4  }
0xaa: {  	[dreg:$0x4] =	wrdreg $0xC0  }
0xab: {  	_ =	task [dreg:s6], $0x5FFFF  }
0xac: {  	[dreg:$0x1] =	wrdreg $0xFFFFFFFF  }
0xad: {  	[dreg:$0x0] =	wrdreg $0x60  }
0xae: {  	[dreg:$0x2] =	wrdreg s24  }
0xaf: {  	[dreg:$0x3] =	wrdreg $0x9  }
0xb0: {  	_ =	task.clear_ibuf [dreg:s6], $0x4FFFF;
	_ =	strace $0x90000046  }
0xb1: {  	s29 =	simm.s32 $0x9;
	_ =	strace $0x80000048  }
0xb2: {  	_ =	swait.ge [sflag:s29], $0x1  }
0xb3: {  	[sflag:s29] =	ssyncadd.s32 $0xFFFFFFFF  }
0xb4: {  	_ =	strace $0x90000048  }
0xb5: {  	_ =	sfence  }
0xb6: {  	s30 =	sld [smem:$0x0];
	_ =	sdelay $0x2  }
0xb7: {  	s31 =	sshll.u32 s1, $0xD;
	s1 =	sshrl.u32 s1, $0x2  }
0xb8: {  	s3 =	sand.u32 $0x4000, s31;
	s1 =	sadd.s32 s1, s30  }
0xb9: {  	s0 =	sor.u32 s3, s0;
	s1 =	sshll.u32 s1, $0x11  }
0xba: {  	s0 =	sor.u32 s1, s0  }
0xbb: {  	s0 =	sadd.s32 $0x8F2B, s0  }
0xbc: {  	[sflag:s0] =	ssyncadd.remote.s32 $0x1  }
0xbd: {  	_ =	sfence.sel $0xFFFF  }
0xbe: {  	[dreg:$0x0] =	wrdreg $0xFFFFFFFF;
	(pc) =	sbr.abs _section_cstart, $3  }
0xbf: {  	[dreg:$0x1] =	wrdreg $0xFFFFFFFF  }
0xc0: {  	_ =	task.clear_ibuf [dreg:s6], $0x2FFFF;
	_ =	strace $0x9FFFFFFF  }
0xc1: {  	(tm) =	ssettm $0x7FFFFFFF  }
tec
execute0_lowered:
.L_overlay_start_1:
0x0: {  	(tag) =	ssettag $0x1  }
0x1: {  	s7 =	rddreg [dreg:$0x0]  }
0x2: {  	s0 =	rddreg [dreg:$0x1];
	s3 =	srdreg.scid  }
0x3: {  	s1 =	stileid.u32;
	s2 =	simm.s32 $0x0;
	s11 =	simm.s32 $0x1000  }
0x4: {  	s12 =	simm.s32 $0x1;
	s13 =	simm.s32 $0x2000;
	s14 =	simm.s32 $0x2  }
0x5: {  	s4 =	sand.u32 $0x1, s3;
	s31 =	sshll.u32 s1, $0x1;
	[smem:$0x7FF] =	sst s2  }
0x6: {  	s15 =	simm.s32 $0x0;
	s3 =	sor.u32 s4, s31;
	_ =	strace $0x80000047  }
0x7: {  	s4 =	ssub.s32 $0x2, s4;
	s5 =	sshll.u32 s3, $0x4;
	s6 =	sshll.u32 s3, $0x8  }
0x8: {  	v0 =	vlaneseq.u32;
	s8 =	sshrl.u32 s4, $0x1;
	s5 =	sand.u32 $0x70, s5;
	s6 =	sadd.s32 s6, s7  }
0x9: {  	v1 =	vimm.f32 $0.0e+00;
	v2 =	vand.u32 $0x7, v0;
	s10 =	ssub.s32 s4, s8;
	s9 =	sadd.s32 s5, s7;
	s4 =	sadd.s32 $0xC00, s6  }
0xa: {  	v6 =	vimm.f32 $1.000000000e+00;
	v0 =	vshrl.u32 v0, $0x3;
	v2 =	vmul.u32 $0x80, v2;
	s5 =	sadd.s32 $0x2C00, s6;
	s6 =	sadd.s32 $0x4C00, s6;
	s7 =	sadd.s32 $0x6C00, s7  }
0xb: {  	v3 =	vor.u32 $0x2, v0;
	v4 =	vor.u32 $0x4, v0;
	v5 =	vor.u32 $0x6, v0;
	s8 =	sadd.s32 $0x40C00, s9;
	s9 =	smax.u32 s10, $0x1;
	s10 =	simm.s32 $0x800  }
.LBB2_1:
0xc: {  	[tilespmem:s2], [sflag:$0x1] =	stream.linear.gather [hbm4b:s4+s2], $0x800, $0x38;
	[tilespmem:$0x2880] =	vst v63  }
0xd: {  	_ = 	snop  }
0xe: {  	[tilespmem:s10], [sflag:$0x1] =	stream.linear.gather [hbm4b:s5+s2], $0x800, $0x38;
	[tilespmem:$0x2880] =	vst v63  }
0xf: {  	s16 =	simm.s32 $0x0  }
0x10: {  	[tilespmem:s11], [sflag:$0x1] =	stream.linear.gather [hbm4b:s6+s2], $0x800, $0x38;
	[tilespmem:$0x2880] =	vst v63  }
.LBB2_2:
0x11: {  	p0 =	sgt.u32 s16, $0x1C  }
0x12: {  	s17 =	sshll.u32 s16, $0x5;
	_ =	swait.ge [sflag:s12], $0x800;
	s18 =	sshll.u32 @!p0 s16, $0xD  }
0x13: {  	s17 =	sor.u32 s3, s17;
	[sflag:s12] =	ssyncset.done $0x0;
	s18 =	sadd.s32 @!p0 $0x6000, s18  }
0x14: {  	s20 =	simm.s32 @!p0 $0x0;
	s19 =	sshll.u32 @!p0 s17, $0x8;
	s18 =	sand.u32 @!p0 $0x6000, s18  }
0x15: {  	[sflag:s12] =	ssyncadd.s32 $0xFFFFF800;
	s19 =	sadd.s32 @!p0 s19, s7;
	s18 =	sshrl.u32 @!p0 s18, $0x2  }
0x16: {  	[tilespmem:s18], [sflag:$0x1] =	stream.linear.gather @!p0 [hbm4b:s19+s20], $0x800, $0x38;
	[tilespmem:$0x2880] =	vst v63  }
0x17: {  	[tilespmem:$0x2000] =	vst v1  }
0x18: {  	[tilespmem:$0x2010] =	vst v1  }
0x19: {  	[tilespmem:$0x2020] =	vst v1  }
0x1a: {  	[tilespmem:$0x2030] =	vst v1  }
0x1b: {  	[tilespmem:$0x2040] =	vst v1  }
0x1c: {  	[tilespmem:$0x2050] =	vst v1  }
0x1d: {  	[tilespmem:$0x2060] =	vst v1  }
0x1e: {  	[tilespmem:$0x2070] =	vst v1  }
0x1f: {  	[tilespmem:$0x2080] =	vst v1  }
0x20: {  	[tilespmem:$0x2090] =	vst v1  }
0x21: {  	[tilespmem:$0x20A0] =	vst v1  }
0x22: {  	[tilespmem:$0x20B0] =	vst v1  }
0x23: {  	[tilespmem:$0x20C0] =	vst v1  }
0x24: {  	[tilespmem:$0x20D0] =	vst v1  }
0x25: {  	[tilespmem:$0x20E0] =	vst v1  }
0x26: {  	[tilespmem:$0x20F0] =	vst v1  }
0x27: {  	[tilespmem:$0x2100] =	vst v1  }
0x28: {  	[tilespmem:$0x2110] =	vst v1  }
0x29: {  	[tilespmem:$0x2120] =	vst v1  }
0x2a: {  	[tilespmem:$0x2130] =	vst v1  }
0x2b: {  	[tilespmem:$0x2140] =	vst v1  }
0x2c: {  	[tilespmem:$0x2150] =	vst v1  }
0x2d: {  	[tilespmem:$0x2160] =	vst v1  }
0x2e: {  	[tilespmem:$0x2170] =	vst v1  }
0x2f: {  	[tilespmem:$0x2180] =	vst v1  }
0x30: {  	[tilespmem:$0x2190] =	vst v1  }
0x31: {  	[tilespmem:$0x21A0] =	vst v1  }
0x32: {  	[tilespmem:$0x21B0] =	vst v1  }
0x33: {  	[tilespmem:$0x21C0] =	vst v1  }
0x34: {  	[tilespmem:$0x21D0] =	vst v1  }
0x35: {  	[tilespmem:$0x21E0] =	vst v1  }
0x36: {  	[tilespmem:$0x21F0] =	vst v1  }
0x37: {  	[tilespmem:$0x2200] =	vst v1  }
0x38: {  	[tilespmem:$0x2210] =	vst v1  }
0x39: {  	[tilespmem:$0x2220] =	vst v1  }
0x3a: {  	[tilespmem:$0x2230] =	vst v1  }
0x3b: {  	[tilespmem:$0x2240] =	vst v1  }
0x3c: {  	[tilespmem:$0x2250] =	vst v1  }
0x3d: {  	[tilespmem:$0x2260] =	vst v1  }
0x3e: {  	[tilespmem:$0x2270] =	vst v1  }
0x3f: {  	[tilespmem:$0x2280] =	vst v1  }
0x40: {  	[tilespmem:$0x2290] =	vst v1  }
0x41: {  	[tilespmem:$0x22A0] =	vst v1  }
0x42: {  	[tilespmem:$0x22B0] =	vst v1  }
0x43: {  	[tilespmem:$0x22C0] =	vst v1  }
0x44: {  	[tilespmem:$0x22D0] =	vst v1  }
0x45: {  	[tilespmem:$0x22E0] =	vst v1  }
0x46: {  	[tilespmem:$0x22F0] =	vst v1  }
0x47: {  	[tilespmem:$0x2300] =	vst v1  }
0x48: {  	[tilespmem:$0x2310] =	vst v1  }
0x49: {  	[tilespmem:$0x2320] =	vst v1  }
0x4a: {  	[tilespmem:$0x2330] =	vst v1  }
0x4b: {  	[tilespmem:$0x2340] =	vst v1  }
0x4c: {  	[tilespmem:$0x2350] =	vst v1  }
0x4d: {  	s30 =	sshll.u32 s16, $0x3;
	[tilespmem:$0x2360] =	vst v1  }
0x4e: {  	s18 =	sand.u32 $0x18, s30;
	[tilespmem:$0x2370] =	vst v1  }
0x4f: {  	[tilespmem:$0x2380] =	vst v1;
	v7 =	vmov s18  }
0x50: {  	[tilespmem:$0x2390] =	vst v1;
	v7 =	vshrl.u32 v7, $0x3  }
0x51: {  	[tilespmem:$0x23A0] =	vst v1;
	v7 =	vshll.u32 v7, $0xB  }
0x52: {  	[tilespmem:$0x23B0] =	vst v1;
	v7 =	vbroadcast v7, $0x0  }
0x53: {  	v8 =	vshll.u32 v0, $0x3;
	[tilespmem:$0x23C0] =	vst v1  }
0x54: {  	v8 =	vand.u32 $0xFFFFFC00, v8;
	[tilespmem:$0x23D0] =	vst v1;
	v7 =	vor.u32 v2, v7  }
0x55: {  	v9 =	vand.u32 $0x7F, v0;
	[tilespmem:$0x23E0] =	vst v1;
	v8 =	vadd.s32 v7, v8  }
0x56: {  	[tilespmem:$0x23F0] =	vst v1;
	v8 =	vor.u32 v9, v8  }
0x57: {  	[tilespmem:$0x2400] =	vst v1  }
0x58: {  	[tilespmem:$0x2410] =	vst v1  }
0x59: {  	[tilespmem:$0x2420] =	vst v1  }
0x5a: {  	[tilespmem:$0x2430] =	vst v1  }
0x5b: {  	v8 =	vld.idx.msk [tilespmem:v8+s2+$0x0], $0xffff  }
0x5c: {  	v9 =	vshll.u32 v3, $0x3  }
0x5d: {  	v9 =	vand.u32 $0xFFFFFC00, v9  }
0x5e: {  	v10 =	vand.u32 $0x7F, v3;
	v9 =	vadd.s32 v7, v9  }
0x5f: {  	v9 =	vor.u32 v10, v9;
	_ =	sdelay $0x3  }
0x60: {  	[tilespmem:v8+s13+$0x0] =	vst.idx.add.f32.msk $0xffff, v6  }
0x61: {  	v8 =	vld.idx.msk [tilespmem:v9+s2+$0x0], $0xffff  }
0x62: {  	v9 =	vshll.u32 v4, $0x3  }
0x63: {  	v9 =	vand.u32 $0xFFFFFC00, v9  }
0x64: {  	v10 =	vand.u32 $0x7F, v4;
	v9 =	vadd.s32 v7, v9  }
0x65: {  	v9 =	vor.u32 v10, v9;
	_ =	sdelay $0x3  }
0x66: {  	[tilespmem:v8+s13+$0x0] =	vst.idx.add.f32.msk $0xffff, v6  }
0x67: {  	v8 =	vld.idx.msk [tilespmem:v9+s2+$0x0], $0xffff  }
0x68: {  	s31 =	sand.u32 $0xF8, s17;
	v9 =	vshll.u32 v5, $0x3  }
0x69: {  	s18 =	sadd.s32 $0x8, s31;
	v9 =	vand.u32 $0xFFFFFC00, v9  }
0x6a: {  	s18 =	sshrl.u32 s18, $0x3;
	v10 =	vand.u32 $0x7F, v5;
	v9 =	vadd.s32 v7, v9  }
0x6b: {  	p0 =	sgt.u32 s18, $0x1;
	v9 =	vor.u32 v10, v9  }
.Ltmp0:
0x6c: {  	_ = 	snop;
	(pc) =	sbr.rel @!p0 .LBB2_4-.Ltmp0, $3  }
0x6d: {  	_ =	sdelay $0x1  }
0x6e: {  	[tilespmem:v8+s13+$0x0] =	vst.idx.add.f32.msk $0xffff, v6  }
0x6f: {  	v11 =	vmovc v5;
	s19 =	simm.s32 $0x1;
	v10 =	vmov v4;
	v8 =	vadd.s32 $0x8, v0;
	v12 =	vld.idx.msk [tilespmem:v9+s2+$0x0], $0xffff;
	v9 =	vmov v3  }
.LBB2_3:
0x70: {  	v13 =	vshll.u32 v8, $0x3;
	s19 =	sadd.s32 $0x1, s19  }
0x71: {  	v13 =	vand.u32 $0xFFFFFC00, v13;
	p0 =	slt.u32 s19, s18  }
0x72: {  	v14 =	vand.u32 $0x7F, v8;
	v13 =	vadd.s32 v7, v13  }
0x73: {  	v13 =	vor.u32 v14, v13;
	_ =	sdelay $0x3  }
0x74: {  	[tilespmem:v12+s13+$0x0] =	vst.idx.add.f32.msk $0xffff, v6  }
0x75: {  	v9 =	vadd.s32 $0x8, v9;
	v12 =	vld.idx.msk [tilespmem:v13+s2+$0x0], $0xffff  }
0x76: {  	v13 =	vshll.u32 v9, $0x3  }
0x77: {  	v13 =	vand.u32 $0xFFFFFC00, v13  }
0x78: {  	v14 =	vand.u32 $0x7F, v9;
	v13 =	vadd.s32 v7, v13  }
0x79: {  	v13 =	vor.u32 v14, v13;
	_ =	sdelay $0x3  }
0x7a: {  	[tilespmem:v12+s13+$0x0] =	vst.idx.add.f32.msk $0xffff, v6  }
0x7b: {  	v10 =	vadd.s32 $0x8, v10;
	v12 =	vld.idx.msk [tilespmem:v13+s2+$0x0], $0xffff  }
0x7c: {  	v13 =	vshll.u32 v10, $0x3  }
0x7d: {  	v13 =	vand.u32 $0xFFFFFC00, v13  }
0x7e: {  	v14 =	vand.u32 $0x7F, v10;
	v13 =	vadd.s32 v7, v13  }
0x7f: {  	v13 =	vor.u32 v14, v13;
	_ =	sdelay $0x3  }
0x80: {  	[tilespmem:v12+s13+$0x0] =	vst.idx.add.f32.msk $0xffff, v6  }
0x81: {  	v11 =	vadd.s32 $0x8, v11;
	v12 =	vld.idx.msk [tilespmem:v13+s2+$0x0], $0xffff  }
0x82: {  	v13 =	vshll.u32 v11, $0x3  }
0x83: {  	v13 =	vand.u32 $0xFFFFFC00, v13  }
0x84: {  	v14 =	vand.u32 $0x7F, v11;
	v13 =	vadd.s32 v7, v13  }
0x85: {  	v13 =	vor.u32 v14, v13  }
.Ltmp1:
0x86: {  	(pc) =	sbr.rel @p0 .LBB2_3-.Ltmp1, $3  }
0x87: {  	_ =	sdelay $0x1  }
0x88: {  	[tilespmem:v12+s13+$0x0] =	vst.idx.add.f32.msk $0xffff, v6  }
0x89: {  	v8 =	vadd.s32 $0x8, v8;
	v12 =	vld.idx.msk [tilespmem:v13+s2+$0x0], $0xffff  }
.LBB2_4:
0x8a: {  	_ =	sdelay $0x6  }
0x8b: {  	p0 =	slt.u32 s16, $0x2  }
0x8c: {  	s18 =	simm.s32 @!p0 $0x2;
	[tilespmem:v12+s13+$0x0] =	vst.idx.add.f32.msk $0xffff, v6  }
0x8d: {  	_ =	swait.ge @!p0 [sflag:s18], $0x200  }
0x8e: {  	[sflag:s18] =	ssyncset.done @!p0 $0x0  }
0x8f: {  	[sflag:s18] =	ssyncadd.s32 @!p0 $0xFFFFFE00  }
0x90: {  	v7 =	vld [tilespmem:$0x2000]  }
0x91: {  	v8 =	vld [tilespmem:$0x2220];
	_ =	sdelay $0x4  }
0x92: {  	s28 =	sshll.u32 s16, $0x7;
	v7 =	vadd.f32 v8, v7  }
0x93: {  	s18 =	sand.u32 $0x80, s28  }
0x94: {  	[tilespmem:s18+$0x2480] =	vst v7  }
0x95: {  	v7 =	vld [tilespmem:$0x2010]  }
0x96: {  	v8 =	vld [tilespmem:$0x2230];
	_ =	sdelay $0x4  }
0x97: {  	v7 =	vadd.f32 v8, v7;
	_ =	sdelay $0x1  }
0x98: {  	[tilespmem:s18+$0x2490] =	vst v7  }
0x99: {  	v7 =	vld [tilespmem:$0x2020]  }
0x9a: {  	v8 =	vld [tilespmem:$0x2240];
	_ =	sdelay $0x4  }
0x9b: {  	v7 =	vadd.f32 v8, v7;
	_ =	sdelay $0x1  }
0x9c: {  	[tilespmem:s18+$0x24A0] =	vst v7  }
0x9d: {  	v7 =	vld [tilespmem:$0x2030]  }
0x9e: {  	v8 =	vld [tilespmem:$0x2250];
	_ =	sdelay $0x4  }
0x9f: {  	v7 =	vadd.f32 v8, v7;
	_ =	sdelay $0x1  }
0xa0: {  	[tilespmem:s18+$0x24B0] =	vst v7  }
0xa1: {  	v7 =	vld [tilespmem:$0x2040]  }
0xa2: {  	v8 =	vld [tilespmem:$0x2260];
	_ =	sdelay $0x4  }
0xa3: {  	v7 =	vadd.f32 v8, v7;
	_ =	sdelay $0x1  }
0xa4: {  	[tilespmem:s18+$0x24C0] =	vst v7  }
0xa5: {  	v7 =	vld [tilespmem:$0x2050]  }
0xa6: {  	v8 =	vld [tilespmem:$0x2270];
	_ =	sdelay $0x4  }
0xa7: {  	v7 =	vadd.f32 v8, v7;
	_ =	sdelay $0x1  }
0xa8: {  	[tilespmem:s18+$0x24D0] =	vst v7  }
0xa9: {  	v7 =	vld [tilespmem:$0x2060]  }
0xaa: {  	v8 =	vld [tilespmem:$0x2280];
	_ =	sdelay $0x4  }
0xab: {  	v7 =	vadd.f32 v8, v7;
	_ =	sdelay $0x1  }
0xac: {  	[tilespmem:s18+$0x24E0] =	vst v7  }
0xad: {  	v7 =	vld [tilespmem:$0x2070]  }
0xae: {  	v8 =	vld [tilespmem:$0x2290];
	_ =	sdelay $0x4  }
0xaf: {  	v7 =	vadd.f32 v8, v7;
	_ =	sdelay $0x1  }
0xb0: {  	[tilespmem:s18+$0x24F0] =	vst v7  }
0xb1: {  	v7 =	vld [tilespmem:$0x2080]  }
0xb2: {  	v8 =	vld [tilespmem:$0x22A0];
	_ =	sdelay $0x4  }
0xb3: {  	v7 =	vadd.f32 v8, v7;
	_ =	sdelay $0x1  }
0xb4: {  	[tilespmem:s18+$0x2580] =	vst v7  }
0xb5: {  	v7 =	vld [tilespmem:$0x2090]  }
0xb6: {  	v8 =	vld [tilespmem:$0x22B0];
	_ =	sdelay $0x4  }
0xb7: {  	v7 =	vadd.f32 v8, v7;
	_ =	sdelay $0x1  }
0xb8: {  	[tilespmem:s18+$0x2590] =	vst v7  }
0xb9: {  	v7 =	vld [tilespmem:$0x20A0]  }
0xba: {  	v8 =	vld [tilespmem:$0x22C0];
	_ =	sdelay $0x4  }
0xbb: {  	v7 =	vadd.f32 v8, v7;
	_ =	sdelay $0x1  }
0xbc: {  	[tilespmem:s18+$0x25A0] =	vst v7  }
0xbd: {  	v7 =	vld [tilespmem:$0x20B0]  }
0xbe: {  	v8 =	vld [tilespmem:$0x22D0];
	_ =	sdelay $0x4  }
0xbf: {  	v7 =	vadd.f32 v8, v7;
	_ =	sdelay $0x1  }
0xc0: {  	[tilespmem:s18+$0x25B0] =	vst v7  }
0xc1: {  	v7 =	vld [tilespmem:$0x20C0]  }
0xc2: {  	v8 =	vld [tilespmem:$0x22E0];
	_ =	sdelay $0x4  }
0xc3: {  	v7 =	vadd.f32 v8, v7;
	_ =	sdelay $0x1  }
0xc4: {  	[tilespmem:s18+$0x25C0] =	vst v7  }
0xc5: {  	v7 =	vld [tilespmem:$0x20D0]  }
0xc6: {  	v8 =	vld [tilespmem:$0x22F0];
	_ =	sdelay $0x4  }
0xc7: {  	v7 =	vadd.f32 v8, v7;
	_ =	sdelay $0x1  }
0xc8: {  	[tilespmem:s18+$0x25D0] =	vst v7  }
0xc9: {  	v7 =	vld [tilespmem:$0x20E0]  }
0xca: {  	v8 =	vld [tilespmem:$0x2300];
	_ =	sdelay $0x4  }
0xcb: {  	v7 =	vadd.f32 v8, v7;
	_ =	sdelay $0x1  }
0xcc: {  	[tilespmem:s18+$0x25E0] =	vst v7  }
0xcd: {  	v7 =	vld [tilespmem:$0x20F0]  }
0xce: {  	v8 =	vld [tilespmem:$0x2310];
	_ =	sdelay $0x4  }
0xcf: {  	v7 =	vadd.f32 v8, v7;
	_ =	sdelay $0x1  }
0xd0: {  	[tilespmem:s18+$0x25F0] =	vst v7  }
0xd1: {  	v7 =	vld [tilespmem:$0x2100]  }
0xd2: {  	v8 =	vld [tilespmem:$0x2320];
	_ =	sdelay $0x4  }
0xd3: {  	v7 =	vadd.f32 v8, v7;
	_ =	sdelay $0x1  }
0xd4: {  	[tilespmem:s18+$0x2680] =	vst v7  }
0xd5: {  	v7 =	vld [tilespmem:$0x2110]  }
0xd6: {  	v8 =	vld [tilespmem:$0x2330];
	_ =	sdelay $0x4  }
0xd7: {  	v7 =	vadd.f32 v8, v7;
	_ =	sdelay $0x1  }
0xd8: {  	[tilespmem:s18+$0x2690] =	vst v7  }
0xd9: {  	v7 =	vld [tilespmem:$0x2120]  }
0xda: {  	v8 =	vld [tilespmem:$0x2340];
	_ =	sdelay $0x4  }
0xdb: {  	v7 =	vadd.f32 v8, v7;
	_ =	sdelay $0x1  }
0xdc: {  	[tilespmem:s18+$0x26A0] =	vst v7  }
0xdd: {  	v7 =	vld [tilespmem:$0x2130]  }
0xde: {  	v8 =	vld [tilespmem:$0x2350];
	_ =	sdelay $0x4  }
0xdf: {  	v7 =	vadd.f32 v8, v7;
	_ =	sdelay $0x1  }
0xe0: {  	[tilespmem:s18+$0x26B0] =	vst v7  }
0xe1: {  	v7 =	vld [tilespmem:$0x2140]  }
0xe2: {  	v8 =	vld [tilespmem:$0x2360];
	_ =	sdelay $0x4  }
0xe3: {  	v7 =	vadd.f32 v8, v7;
	_ =	sdelay $0x1  }
0xe4: {  	[tilespmem:s18+$0x26C0] =	vst v7  }
0xe5: {  	v7 =	vld [tilespmem:$0x2150]  }
0xe6: {  	v8 =	vld [tilespmem:$0x2370];
	_ =	sdelay $0x4  }
0xe7: {  	v7 =	vadd.f32 v8, v7;
	_ =	sdelay $0x1  }
0xe8: {  	[tilespmem:s18+$0x26D0] =	vst v7  }
0xe9: {  	v7 =	vld [tilespmem:$0x2160]  }
0xea: {  	v8 =	vld [tilespmem:$0x2380];
	_ =	sdelay $0x4  }
0xeb: {  	v7 =	vadd.f32 v8, v7;
	_ =	sdelay $0x1  }
0xec: {  	[tilespmem:s18+$0x26E0] =	vst v7  }
0xed: {  	v7 =	vld [tilespmem:$0x2170]  }
0xee: {  	v8 =	vld [tilespmem:$0x2390];
	_ =	sdelay $0x4  }
0xef: {  	v7 =	vadd.f32 v8, v7;
	_ =	sdelay $0x1  }
0xf0: {  	[tilespmem:s18+$0x26F0] =	vst v7  }
0xf1: {  	v7 =	vld [tilespmem:$0x2180]  }
0xf2: {  	v8 =	vld [tilespmem:$0x23A0];
	_ =	sdelay $0x4  }
0xf3: {  	v7 =	vadd.f32 v8, v7;
	_ =	sdelay $0x1  }
0xf4: {  	[tilespmem:s18+$0x2780] =	vst v7  }
0xf5: {  	v7 =	vld [tilespmem:$0x2190]  }
0xf6: {  	v8 =	vld [tilespmem:$0x23B0];
	_ =	sdelay $0x4  }
0xf7: {  	v7 =	vadd.f32 v8, v7;
	_ =	sdelay $0x1  }
0xf8: {  	[tilespmem:s18+$0x2790] =	vst v7  }
0xf9: {  	v7 =	vld [tilespmem:$0x21A0]  }
0xfa: {  	v8 =	vld [tilespmem:$0x23C0];
	_ =	sdelay $0x4  }
0xfb: {  	v7 =	vadd.f32 v8, v7;
	_ =	sdelay $0x1  }
0xfc: {  	[tilespmem:s18+$0x27A0] =	vst v7  }
0xfd: {  	v7 =	vld [tilespmem:$0x21B0]  }
0xfe: {  	v8 =	vld [tilespmem:$0x23D0];
	_ =	sdelay $0x4  }
0xff: {  	v7 =	vadd.f32 v8, v7;
	_ =	sdelay $0x1  }
0x100: {  	[tilespmem:s18+$0x27B0] =	vst v7  }
0x101: {  	v7 =	vld [tilespmem:$0x21C0]  }
0x102: {  	v8 =	vld [tilespmem:$0x23E0];
	_ =	sdelay $0x4  }
0x103: {  	v7 =	vadd.f32 v8, v7;
	_ =	sdelay $0x1  }
0x104: {  	[tilespmem:s18+$0x27C0] =	vst v7  }
0x105: {  	v7 =	vld [tilespmem:$0x21D0]  }
0x106: {  	v8 =	vld [tilespmem:$0x23F0];
	_ =	sdelay $0x4  }
0x107: {  	v7 =	vadd.f32 v8, v7;
	_ =	sdelay $0x1  }
0x108: {  	[tilespmem:s18+$0x27D0] =	vst v7  }
0x109: {  	v7 =	vld [tilespmem:$0x21E0]  }
0x10a: {  	v8 =	vld [tilespmem:$0x2400];
	_ =	sdelay $0x4  }
0x10b: {  	v7 =	vadd.f32 v8, v7;
	_ =	sdelay $0x1  }
0x10c: {  	[tilespmem:s18+$0x27E0] =	vst v7  }
0x10d: {  	v7 =	vld [tilespmem:$0x21F0]  }
0x10e: {  	v8 =	vld [tilespmem:$0x2410];
	_ =	sdelay $0x4  }
0x10f: {  	s17 =	sshll.u32 s17, $0x6;
	v7 =	vadd.f32 v8, v7  }
0x110: {  	s17 =	sand.u32 $0xFE00, s17  }
0x111: {  	s16 =	sadd.s32 $0x1, s16;
	s17 =	sadd.s32 s17, s8;
	s19 =	sadd.s32 $0x2480, s18;
	[tilespmem:s18+$0x27F0] =	vst v7  }
0x112: {  	[hbm4b:s17+s2] =	stream.linear.scatter [tilespmem:s19], [sflag:$0x2], $0x80, $0x38;
	[tilespmem:$0x2880] =	vst v63  }
0x113: {  	s20 =	sadd.s32 $0x80, s17;
	p0 =	sne.s32 s16, $0x20;
	s29 =	sadd.s32 $0x2580, s18  }
0x114: {  	[hbm4b:s20+s2] =	stream.linear.scatter [tilespmem:s29], [sflag:$0x2], $0x80, $0x38;
	[tilespmem:$0x2880] =	vst v63  }
.Ltmp2:
0x115: {  	_ = 	snop;
	(pc) =	sbr.rel @p0 .LBB2_2-.Ltmp2, $4  }
0x116: {  	s31 =	sadd.s32 $0x100, s17;
	s30 =	sadd.s32 $0x2680, s18  }
0x117: {  	[hbm4b:s31+s2] =	stream.linear.scatter [tilespmem:s30], [sflag:$0x2], $0x80, $0x38;
	[tilespmem:$0x2880] =	vst v63  }
0x118: {  	s18 =	sadd.s32 $0x2780, s18;
	s17 =	sadd.s32 $0x180, s17  }
0x119: {  	[hbm4b:s17+s2] =	stream.linear.scatter [tilespmem:s18], [sflag:$0x2], $0x80, $0x38;
	[tilespmem:$0x2880] =	vst v63  }
0x11a: {  	s15 =	sadd.s32 $0x1, s15  }
0x11b: {  	_ =	swait.ge [sflag:s14], $0x200;
	p0 =	sne.s32 s15, s9  }
.Ltmp3:
0x11c: {  	[sflag:s14] =	ssyncset.done $0x0;
	(pc) =	sbr.rel @p0 .LBB2_1-.Ltmp3, $4  }
0x11d: {  	[sflag:s14] =	ssyncadd.s32 $0xFFFFFE00  }
0x11e: {  	_ =	swait.ge [sflag:s14], $0x200  }
0x11f: {  	[sflag:s14] =	ssyncset.done $0x0  }
0x120: {  	[sflag:s14] =	ssyncadd.s32 $0xFFFFFE00  }
0x121: {  	_ =	sfence.sel $0x180000  }
0x122: {  	[bflag:$0x0] =	sbarrier.arrive $0xFFFF  }
0x123: {  	p0 =	sne.s32 s1, $0x0;
	_ =	strace $0x90000047  }
0x124: {  	s0 =	sadd.s32 @!p0 $0x100000, s0;
	[bflag:$0x2] =	sbarrier.arrive $0xFFFF  }
0x125: {  	[sflag:s0] =	ssyncadd.tile.s32 @!p0 $0x1;
	_ =	shalt  }
.Lfunc_end2:
_tile_overlayer_lowered:
.L_overlay_start_2:
0x126: {  	(tag) =	ssettag $0x2  }
0x127: {  	s0 =	rddreg [dreg:$0x0];
	s2 =	stileid.u32  }
0x128: {  	s1 =	rddreg [dreg:$0x1];
	p0 =	sne.s32 s2, $0x0  }
0x129: {  	s3 =	rddreg [dreg:$0x2];
	[bflag:$0x3] =	sbarrier.arrive $0xFFFF;
	s2 =	simm.s32 @!p0 $0x1C03  }
0x12a: {  	[timem:s3], [sflag:s2] =	dma.local @!p0 [hbm:s0], s1  }
0x12b: {  	s0 =	simm.s32 @!p0 $0x3  }
0x12c: {  	_ =	swait.ge @!p0 [sflag:s0], s1  }
0x12d: {  	s1 =	ssub.s32 @!p0 $0x0, s1;
	[sflag:s0] =	ssyncset.done @!p0 $0x0  }
0x12e: {  	[sflag:s0] =	ssyncadd.s32 @!p0 s1  }
0x12f: {  	[bflag:$0x3] =	sbarrier.arrive $0xFFFF  }
0x130: {  	_ =	shalt  }

</sc_bundles>
